<compile_context>
chip_gen: v7x
topology: tpu7x:2x2x1
jax: 0.10.2.dev20260603
libtpu: 0.0.44.dev20260713+nightly
codegen_flags: <defaults>
</compile_context>

<pallas_src>
import dataclasses
import functools

import jax
import jax.numpy as jnp
from jax import lax
from jax.experimental import pallas as pl
from jax.experimental.pallas import tpu as pltpu
from jax.experimental.pallas import tpu_sc as plsc

NC, NS = 2, 16
NW = NC * NS
CA = 2048
CB = 128
MLP_ROWS = 2048
RED_ROWS = 4000


def _sc_mesh():
    return plsc.VectorSubcoreMesh(
        core_axis_name="c", subcore_axis_name="s", num_cores=NC, num_subcores=NS
    )


def _sc_compiler_params():
    cp = pltpu.CompilerParams()
    if "needs_layout_passes" in pltpu.CompilerParams.__dataclass_fields__:
        cp = dataclasses.replace(cp, needs_layout_passes=False)
    return cp


def _small_gather(nodes_rep, neighs_flat, feature_labels, spectral3, distance):
    ppad = nodes_rep.shape[0]
    pw = ppad // NW
    n = feature_labels.shape[0]
    l = distance.shape[0]

    @functools.partial(
        pl.kernel,
        out_type=(
            jax.ShapeDtypeStruct((ppad,), jnp.float32),
            jax.ShapeDtypeStruct((ppad,), jnp.float32),
        ),
        mesh=_sc_mesh(),
        scratch_types=[
            pltpu.VMEM((n,), jnp.int32),
            pltpu.VMEM((n,), jnp.float32),
            pltpu.VMEM((l, l), jnp.float32),
            pltpu.VMEM((CA,), jnp.int32),
            pltpu.VMEM((CA,), jnp.int32),
            pltpu.VMEM((CA,), jnp.float32),
            pltpu.VMEM((CA,), jnp.float32),
        ],
        compiler_params=_sc_compiler_params(),
    )
    def k(nd_hbm, nb_hbm, fl_hbm, s3_hbm, di_hbm, spec_hbm, dcs_hbm,
          fl_v, s3_v, di_v, nd_c, nb_c, sp_c, dc_c):
        wid = lax.axis_index("s") * NC + lax.axis_index("c")
        base = wid * pw
        pltpu.sync_copy(fl_hbm, fl_v)
        pltpu.sync_copy(s3_hbm, s3_v)
        pltpu.sync_copy(di_hbm, di_v)

        @pl.loop(0, pw, step=CA)
        def _chunk(c0):
            pltpu.sync_copy(nd_hbm.at[pl.ds(base + c0, CA)], nd_c)
            pltpu.sync_copy(nb_hbm.at[pl.ds(base + c0, CA)], nb_c)

            @pl.loop(0, CA, step=16)
            def _vec(i):
                nd = nd_c[pl.ds(i, 16)]
                nb = nb_c[pl.ds(i, 16)]
                ls = plsc.load_gather(fl_v, [nd])
                ld = plsc.load_gather(fl_v, [nb])
                sp_c[pl.ds(i, 16)] = plsc.load_gather(s3_v, [nb])
                dc_c[pl.ds(i, 16)] = plsc.load_gather(di_v, [ls, ld])

            pltpu.sync_copy(sp_c, spec_hbm.at[pl.ds(base + c0, CA)])
            pltpu.sync_copy(dc_c, dcs_hbm.at[pl.ds(base + c0, CA)])

    return k(nodes_rep, neighs_flat, feature_labels, spectral3, distance)


def _feat_gather(idx2d, table, chunks_core0, chunks_core1):
    nrows, _ = idx2d.shape
    d = table.shape[1]
    dt = table.dtype
    assert NS * (chunks_core0 + chunks_core1) == nrows

    nbuf = 4
    cmax = max(chunks_core0, chunks_core1)

    @functools.partial(
        pl.kernel,
        out_type=jax.ShapeDtypeStruct((nrows * CB, d), dt),
        mesh=_sc_mesh(),
        scratch_types=[
            pltpu.VMEM((cmax, CB), jnp.int32),
        ] + [pltpu.VMEM((CB, d), dt) for _ in range(nbuf)] + [
            pltpu.SemaphoreType.DMA((nbuf,)),
            pltpu.SemaphoreType.DMA((nbuf,)),
        ],
    )
    def k(idx_hbm, tab_hbm, out_hbm, idx_v, *rest):
        bufs = rest[:nbuf]
        gs, ws = rest[nbuf], rest[nbuf + 1]
        cidx = lax.axis_index("c")
        tid = lax.axis_index("s")

        def run(rbase, nchunk):
            pltpu.sync_copy(idx_hbm.at[pl.ds(rbase, nchunk)],
                            idx_v.at[pl.ds(0, nchunk)])

            def gather_desc(j, b):
                return pltpu.make_async_copy(
                    tab_hbm.at[idx_v.at[j]], bufs[b], gs.at[b])

            def wback_desc(j, b):
                return pltpu.make_async_copy(
                    bufs[b], out_hbm.at[pl.ds((rbase + j) * CB, CB)],
                    ws.at[b])

            for b in range(nbuf):
                gather_desc(b, b).start()

            @pl.loop(0, nchunk, step=nbuf)
            def _grp(j0):
                for b in range(nbuf):
                    gather_desc(j0 + b, b).wait()
                    wback_desc(j0 + b, b).start()
                for b in range(nbuf):
                    wback_desc(j0 + b, b).wait()

                    @pl.when(j0 + nbuf < nchunk)
                    def _():
                        gather_desc(j0 + nbuf + b, b).start()

        @pl.when(cidx == 0)
        def _():
            run(tid * chunks_core0, chunks_core0)

        @pl.when(cidx == 1)
        def _():
            run(NS * chunks_core0 + tid * chunks_core1, chunks_core1)

    return k(idx2d, table)


def _mlp_body(x_ref, w1_ref, b1_ref, w2_ref, c0_ref, w_ref, *, inv_s):
    a = jnp.dot(x_ref[...], w1_ref[...],
                preferred_element_type=jnp.float32) + b1_ref[...]
    t = jnp.tanh(a).astype(jnp.bfloat16)
    acc = jnp.dot(t, w2_ref[...], preferred_element_type=jnp.float32)
    z = 0.25 * acc + 0.5 * c0_ref[0, 0]
    w_ref[...] = (0.5 * inv_s) * jnp.tanh(z) + (0.5 * inv_s)


def _edge_weights(summary4, w1t, b1row, w2col, c0, s):
    ppad = summary4.shape[0]
    h = w1t.shape[1]
    grid = ppad // MLP_ROWS
    smem = pl.BlockSpec(memory_space=pltpu.SMEM)
    full = lambda shape: pl.BlockSpec(shape, lambda i: (0, 0))
    return pl.pallas_call(
        functools.partial(_mlp_body, inv_s=1.0 / s),
        grid=(grid,),
        in_specs=[pl.BlockSpec((MLP_ROWS, 4), lambda i: (i, 0)),
                  full((4, h)), full((1, h)), full((h, 1)), smem],
        out_specs=pl.BlockSpec((MLP_ROWS, 1), lambda i: (i, 0)),
        out_shape=jax.ShapeDtypeStruct((ppad, 1), jnp.float32),
    )(summary4, w1t, b1row, w2col, c0)


def _reduce_body(w_ref, g_ref, o_ref, *, s):
    wg = g_ref[...] * w_ref[...]
    o_ref[...] = jnp.sum(wg.reshape(RED_ROWS // s, s, wg.shape[1]), axis=1)


def _weighted_reduce(wcol, gath, b, s, d):
    grid = (b * s) // RED_ROWS
    return pl.pallas_call(
        functools.partial(_reduce_body, s=s),
        grid=(grid,),
        in_specs=[
            pl.BlockSpec((RED_ROWS, 1), lambda i: (i, 0)),
            pl.BlockSpec((RED_ROWS, d), lambda i: (i, 0)),
        ],
        out_specs=pl.BlockSpec((RED_ROWS // s, d), lambda i: (i, 0)),
        out_shape=jax.ShapeDtypeStruct((b, d), jnp.float32),
    )(wcol, gath)


def kernel(nodes, neighs, freq_e, dist_e, feature_labels, spectral3, distance,
           features_table, weight1, bias1, weight2, bias2):
    b, s = neighs.shape
    n, d = features_table.shape
    h = weight1.shape[0]
    p = b * s

    unit = max(NW * CA, NW * CB * 8)
    ppad = ((p + unit - 1) // unit) * unit
    pad = ppad - p

    nodes_rep = jnp.broadcast_to(nodes[:, None], (b, s)).reshape(p)
    nodes_rep = jnp.pad(nodes_rep, (0, pad))
    neighs_flat = jnp.pad(neighs.reshape(p), (0, pad))

    spec, dcs = _small_gather(
        nodes_rep, neighs_flat,
        feature_labels.astype(jnp.int32), spectral3, distance)

    ntot = ppad // CB // NS
    ch1 = ((ntot * 5) // 64) * 8
    ch0 = ntot - ch1
    gath = _feat_gather(neighs_flat.reshape(ppad // CB, CB), features_table,
                        ch0, ch1)

    xf = jnp.pad(freq_e.reshape(p), (0, pad))
    xd = jnp.pad(dist_e.reshape(p), (0, pad))
    summary4 = jnp.stack([xf, xd, dcs, spec], axis=-1).astype(jnp.bfloat16)

    w1t = (weight1 * 0.5).T.astype(jnp.bfloat16)
    b1row = (bias1 * 0.5).reshape(1, h)
    w2col = weight2.reshape(h, 1).astype(jnp.bfloat16)
    c0 = (0.5 * jnp.sum(weight2) + bias2[0, 0]).reshape(1, 1)

    wcol = _edge_weights(summary4, w1t, b1row, w2col, c0, s)

    return _weighted_reduce(wcol, gath, b, s, d)

# --- scband reference (transcript-rebuilt; emitter-appended) ---
"""Pipeline reference for scband-aggregator1-35519379538460 (READ-ONLY COPY).

The authoritative reference and input builder live on the scoring server;
editing this copy changes nothing except your own understanding.
"""

import jax, jax.numpy as jnp
import numpy as np

N = 50000  # number of graph nodes
B = 50000  # batch of target nodes
S = 10     # num_sample neighbors per node
D = 128    # feature dim returned by self.features
L = 50     # number of feature labels (classes) indexing the `distance` matrix
H = 512    # hidden dim of the importance MLP (weight1 rows)


def setup_inputs(seed: int = 0) -> dict:
    key = jax.random.key(seed)
    ks = jax.random.split(key, 12)
    nodes = jax.random.randint(ks[0], (B,), 0, N)
    neighs = jax.random.randint(ks[1], (B, S), 0, N)  # sampled to_neighs, assumed distinct per row
    freq_e = jax.random.uniform(ks[2], (B, S), dtype=jnp.float32)           # freq[n1][n2] lookups
    dist_e = jax.random.uniform(ks[3], (B, S), dtype=jnp.float32)           # dist_btwn[n1][n2] lookups
    feature_labels = jax.random.randint(ks[4], (N,), 0, L)
    spectral3 = jax.random.normal(ks[5], (N,), dtype=jnp.float32)           # spectral[3][.]
    distance = jax.random.uniform(ks[6], (L, L), dtype=jnp.float32)
    features_table = jax.random.normal(ks[7], (N, D), dtype=jnp.float32) * 0.02  # self.features as a table
    bnd1 = float(np.sqrt(6.0 / (H + 4)))
    weight1 = jax.random.uniform(ks[8], (H, 4), minval=-bnd1, maxval=bnd1, dtype=jnp.float32)
    bnd2 = float(np.sqrt(6.0 / (1 + H)))
    weight2 = jax.random.uniform(ks[9], (1, H), minval=-bnd2, maxval=bnd2, dtype=jnp.float32)
    bias1 = jnp.zeros((H, 1), dtype=jnp.float32)
    bias2 = jnp.zeros((1, 1), dtype=jnp.float32)
    return {
        'nodes': nodes, 'neighs': neighs, 'freq_e': freq_e, 'dist_e': dist_e,
        'feature_labels': feature_labels, 'spectral3': spectral3, 'distance': distance,
        'features_table': features_table, 'weight1': weight1, 'bias1': bias1,
        'weight2': weight2, 'bias2': bias2,
    }


def reference(nodes, neighs, freq_e, dist_e, feature_labels, spectral3, distance,
              features_table, weight1, bias1, weight2, bias2):
    # get_imp vectorized over all (node_i, neighbor_j) pairs.
    # summary_t = [freq, dist, dist_cs, spectral]  (addnodefeats == 'no' branch)
    lab_src = jnp.take(feature_labels, nodes, axis=0)            # [B]
    lab_dst = jnp.take(feature_labels, neighs, axis=0)           # [B, S]
    dist_cs = distance[lab_src[:, None], lab_dst]                # [B, S] gather
    spec = jnp.take(spectral3, neighs, axis=0)                   # [B, S] gather
    summary = jnp.stack([freq_e, dist_e, dist_cs, spec], axis=-1)  # [B, S, 4]
    # temp_o = sigmoid(W1 @ summary + b1); temp_1 = sigmoid(W2 @ temp_o + b2)
    h = jax.nn.sigmoid(jnp.einsum('bsf,hf->bsh', summary, weight1) + bias1[:, 0])  # [B, S, H]
    imp = jax.nn.sigmoid(jnp.einsum('bsh,oh->bso', h, weight2) + bias2[0, 0])      # [B, S, 1]
    importance = imp[..., 0]                                     # [B, S]
    # mask: 1 per sampled neighbor, row-normalized by num_neigh (= S, neighbors distinct)
    mask = jnp.full(importance.shape, 1.0 / S, dtype=jnp.float32)
    w = mask * importance                                        # mask *= importance
    # embed_matrix gather + to_feats = mask.mm(embed_matrix), expressed per-row
    feats_g = jnp.take(features_table, neighs, axis=0)           # [B, S, D] gather
    to_feats = jnp.einsum('bs,bsd->bd', w, feats_g)              # [B, D]
    return to_feats

if __name__ == "__main__":
    import jax
    _d = setup_inputs()
    print(jax.jit(kernel)(*tuple(_d.values())))

</pallas_src>

<mosaic_0001>
#map = affine_map<(d0, d1) -> (0)>
#map1 = affine_map<(d0, d1) -> (0, 0)>
module attributes {stable_mosaic.version = 14 : i64} {
  func.func @k(%arg0: i32, %arg1: i32, %arg2: memref<524288xi32, #tpu.memory_space<hbm>>, %arg3: memref<524288xi32, #tpu.memory_space<hbm>>, %arg4: memref<50000xi32, #tpu.memory_space<hbm>>, %arg5: memref<50000xf32, #tpu.memory_space<hbm>>, %arg6: memref<50x50xf32, #tpu.memory_space<hbm>>, %arg7: memref<524288xf32, #tpu.memory_space<hbm>>, %arg8: memref<524288xf32, #tpu.memory_space<hbm>>, %arg9: memref<50000xi32, #tpu.memory_space<vmem>>, %arg10: memref<50000xf32, #tpu.memory_space<vmem>>, %arg11: memref<50x50xf32, #tpu.memory_space<vmem>>, %arg12: memref<2048xi32, #tpu.memory_space<vmem>>, %arg13: memref<2048xi32, #tpu.memory_space<vmem>>, %arg14: memref<2048xf32, #tpu.memory_space<vmem>>, %arg15: memref<2048xf32, #tpu.memory_space<vmem>>) attributes {dimension_semantics = [#tpu.dimension_semantics<core_parallel>, #tpu.dimension_semantics<subcore_parallel>], iteration_bounds = array<i64: 2, 16>, scalar_prefetch = 0 : i64, scratch_operands = 7 : i64, tpu.core_type = #tpu.core_type<sc_vector_subcore>, window_params = [{transform_indices = #map}, {transform_indices = #map}, {transform_indices = #map}, {transform_indices = #map}, {transform_indices = #map1}, {transform_indices = #map}, {transform_indices = #map}]} {
    %mul3A = arith.constant 2 : i32
    %mul3A_0 = arith.muli %arg1, %mul3A : i32
    %add3A = arith.addi %mul3A_0, %arg0 : i32
    %mul3A_1 = arith.constant 16384 : i32
    %mul3A_2 = arith.muli %add3A, %mul3A_1 : i32
    "tpu.region"() ({
      %run_scoped3A = tpu.sem_alloc : memref<!tpu.dma_semaphore, #tpu.memory_space<semaphore_mem>>
      tpu.enqueue_dma source(%arg4 : memref<50000xi32, #tpu.memory_space<hbm>>) target(%arg9 : memref<50000xi32, #tpu.memory_space<vmem>>) target_semaphore(%run_scoped3A : memref<!tpu.dma_semaphore, #tpu.memory_space<semaphore_mem>>)
      tpu.wait_dma2 semaphore(%run_scoped3A : memref<!tpu.dma_semaphore, #tpu.memory_space<semaphore_mem>>) src(%arg4 : memref<50000xi32, #tpu.memory_space<hbm>>) dst(%arg9 : memref<50000xi32, #tpu.memory_space<vmem>>)
      tpu.yield
    }) : () -> ()
    "tpu.region"() ({
      %run_scoped3A = tpu.sem_alloc : memref<!tpu.dma_semaphore, #tpu.memory_space<semaphore_mem>>
      tpu.enqueue_dma source(%arg5 : memref<50000xf32, #tpu.memory_space<hbm>>) target(%arg10 : memref<50000xf32, #tpu.memory_space<vmem>>) target_semaphore(%run_scoped3A : memref<!tpu.dma_semaphore, #tpu.memory_space<semaphore_mem>>)
      tpu.wait_dma2 semaphore(%run_scoped3A : memref<!tpu.dma_semaphore, #tpu.memory_space<semaphore_mem>>) src(%arg5 : memref<50000xf32, #tpu.memory_space<hbm>>) dst(%arg10 : memref<50000xf32, #tpu.memory_space<vmem>>)
      tpu.yield
    }) : () -> ()
    "tpu.region"() ({
      %run_scoped3A = tpu.sem_alloc : memref<!tpu.dma_semaphore, #tpu.memory_space<semaphore_mem>>
      tpu.enqueue_dma source(%arg6 : memref<50x50xf32, #tpu.memory_space<hbm>>) target(%arg11 : memref<50x50xf32, #tpu.memory_space<vmem>>) target_semaphore(%run_scoped3A : memref<!tpu.dma_semaphore, #tpu.memory_space<semaphore_mem>>)
      tpu.wait_dma2 semaphore(%run_scoped3A : memref<!tpu.dma_semaphore, #tpu.memory_space<semaphore_mem>>) src(%arg6 : memref<50x50xf32, #tpu.memory_space<hbm>>) dst(%arg11 : memref<50x50xf32, #tpu.memory_space<vmem>>)
      tpu.yield
    }) : () -> ()
    %scan3A = arith.constant 0 : i32
    %scan3A_3 = arith.constant 8 : i32
    %scan3A_4 = arith.addi %scan3A, %scan3A_3 : i32
    %scan3A_5 = arith.constant 1 : i32
    scf.for %scan3A_7 = %scan3A to %scan3A_4 step %scan3A_5  : i32 {
      %mul3A_8 = arith.constant 2048 : i32
      %mul3A_9 = arith.muli %scan3A_7, %mul3A_8 : i32
      %add3A_10 = arith.constant 0 : i32
      %add3A_11 = arith.addi %add3A_10, %mul3A_9 : i32
      %add3A_12 = arith.addi %mul3A_2, %add3A_11 : i32
      "tpu.region"() ({
        %run_scoped3A = tpu.sem_alloc : memref<!tpu.dma_semaphore, #tpu.memory_space<semaphore_mem>>
        %dma_start3A = tpu.memref_slice %arg2[%add3A_12] : memref<524288xi32, #tpu.memory_space<hbm>> -> memref<2048xi32, #tpu.memory_space<hbm>>
        %dma_start3A_21 = tpu.memref_slice %arg2[%add3A_12] : memref<524288xi32, #tpu.memory_space<hbm>> -> memref<2048xi32, #tpu.memory_space<hbm>>
        tpu.enqueue_dma source(%dma_start3A_21 : memref<2048xi32, #tpu.memory_space<hbm>>) target(%arg12 : memref<2048xi32, #tpu.memory_space<vmem>>) target_semaphore(%run_scoped3A : memref<!tpu.dma_semaphore, #tpu.memory_space<semaphore_mem>>)
        %dma_wait3A = tpu.memref_slice %arg2[%add3A_12] : memref<524288xi32, #tpu.memory_space<hbm>> -> memref<2048xi32, #tpu.memory_space<hbm>>
        %dma_wait3A_22 = tpu.memref_slice %arg2[%add3A_12] : memref<524288xi32, #tpu.memory_space<hbm>> -> memref<2048xi32, #tpu.memory_space<hbm>>
        tpu.wait_dma2 semaphore(%run_scoped3A : memref<!tpu.dma_semaphore, #tpu.memory_space<semaphore_mem>>) src(%dma_wait3A_22 : memref<2048xi32, #tpu.memory_space<hbm>>) dst(%arg12 : memref<2048xi32, #tpu.memory_space<vmem>>)
        tpu.yield
      }) : () -> ()
      %add3A_13 = arith.addi %mul3A_2, %add3A_11 : i32
      "tpu.region"() ({
        %run_scoped3A = tpu.sem_alloc : memref<!tpu.dma_semaphore, #tpu.memory_space<semaphore_mem>>
        %dma_start3A = tpu.memref_slice %arg3[%add3A_13] : memref<524288xi32, #tpu.memory_space<hbm>> -> memref<2048xi32, #tpu.memory_space<hbm>>
        %dma_start3A_21 = tpu.memref_slice %arg3[%add3A_13] : memref<524288xi32, #tpu.memory_space<hbm>> -> memref<2048xi32, #tpu.memory_space<hbm>>
        tpu.enqueue_dma source(%dma_start3A_21 : memref<2048xi32, #tpu.memory_space<hbm>>) target(%arg13 : memref<2048xi32, #tpu.memory_space<vmem>>) target_semaphore(%run_scoped3A : memref<!tpu.dma_semaphore, #tpu.memory_space<semaphore_mem>>)
        %dma_wait3A = tpu.memref_slice %arg3[%add3A_13] : memref<524288xi32, #tpu.memory_space<hbm>> -> memref<2048xi32, #tpu.memory_space<hbm>>
        %dma_wait3A_22 = tpu.memref_slice %arg3[%add3A_13] : memref<524288xi32, #tpu.memory_space<hbm>> -> memref<2048xi32, #tpu.memory_space<hbm>>
        tpu.wait_dma2 semaphore(%run_scoped3A : memref<!tpu.dma_semaphore, #tpu.memory_space<semaphore_mem>>) src(%dma_wait3A_22 : memref<2048xi32, #tpu.memory_space<hbm>>) dst(%arg13 : memref<2048xi32, #tpu.memory_space<vmem>>)
        tpu.yield
      }) : () -> ()
      %scan3A_14 = arith.constant 0 : i32
      %scan3A_15 = arith.constant 128 : i32
      %scan3A_16 = arith.addi %scan3A_14, %scan3A_15 : i32
      %scan3A_17 = arith.constant 1 : i32
      scf.for %scan3A_21 = %scan3A_14 to %scan3A_16 step %scan3A_17  : i32 {
        %mul3A_22 = arith.constant 16 : i32
        %mul3A_23 = arith.muli %scan3A_21, %mul3A_22 : i32
        %add3A_24 = arith.constant 0 : i32
        %add3A_25 = arith.addi %add3A_24, %mul3A_23 : i32
        %get3A = arith.index_cast %add3A_25 : i32 to index
        %get3A_26 = tpu.vector_load %arg12[%get3A] {strides = array<i32>} : memref<2048xi32, #tpu.memory_space<vmem>>, vector<16xi32>,
        %get3A_27 = arith.index_cast %add3A_25 : i32 to index
        %get3A_28 = tpu.vector_load %arg13[%get3A_27] {strides = array<i32>} : memref<2048xi32, #tpu.memory_space<vmem>>, vector<16xi32>,
        %gather3A = tpu.vector_load_idx %arg9[%get3A_26] : memref<50000xi32, #tpu.memory_space<vmem>>[vector<16xi32>], vector<16xi32>,
        %gather3A_29 = tpu.vector_load_idx %arg9[%get3A_28] : memref<50000xi32, #tpu.memory_space<vmem>>[vector<16xi32>], vector<16xi32>,
        %gather3A_30 = tpu.vector_load_idx %arg10[%get3A_28] : memref<50000xf32, #tpu.memory_space<vmem>>[vector<16xi32>], vector<16xf32>,
        %swap3A = arith.index_cast %add3A_25 : i32 to index
        %swap3A_31 = tpu.vector_load %arg14[%swap3A] {strides = array<i32>} : memref<2048xf32, #tpu.memory_space<vmem>>, vector<16xf32>,
        tpu.vector_store %arg14[%swap3A], %gather3A_30 {strides = array<i32>} : memref<2048xf32, #tpu.memory_space<vmem>>, vector<16xf32>,
        %gather3A_32 = tpu.vector_load_idx %arg11[%gather3A, %gather3A_29] : memref<50x50xf32, #tpu.memory_space<vmem>>[vector<16xi32>, vector<16xi32>], vector<16xf32>,
        %swap3A_33 = arith.index_cast %add3A_25 : i32 to index
        %swap3A_34 = tpu.vector_load %arg15[%swap3A_33] {strides = array<i32>} : memref<2048xf32, #tpu.memory_space<vmem>>, vector<16xf32>,
        tpu.vector_store %arg15[%swap3A_33], %gather3A_32 {strides = array<i32>} : memref<2048xf32, #tpu.memory_space<vmem>>, vector<16xf32>,
      }
      %scan3A_18 = arith.constant 128 : i32
      %add3A_19 = arith.addi %mul3A_2, %add3A_11 : i32
      "tpu.region"() ({
        %run_scoped3A = tpu.sem_alloc : memref<!tpu.dma_semaphore, #tpu.memory_space<semaphore_mem>>
        %dma_start3A = tpu.memref_slice %arg7[%add3A_19] : memref<524288xf32, #tpu.memory_space<hbm>> -> memref<2048xf32, #tpu.memory_space<hbm>>
        %dma_start3A_21 = tpu.memref_slice %arg7[%add3A_19] : memref<524288xf32, #tpu.memory_space<hbm>> -> memref<2048xf32, #tpu.memory_space<hbm>>
        tpu.enqueue_dma source(%arg14 : memref<2048xf32, #tpu.memory_space<vmem>>) target(%dma_start3A_21 : memref<2048xf32, #tpu.memory_space<hbm>>) target_semaphore(%run_scoped3A : memref<!tpu.dma_semaphore, #tpu.memory_space<semaphore_mem>>)
        %dma_wait3A = tpu.memref_slice %arg7[%add3A_19] : memref<524288xf32, #tpu.memory_space<hbm>> -> memref<2048xf32, #tpu.memory_space<hbm>>
        %dma_wait3A_22 = tpu.memref_slice %arg7[%add3A_19] : memref<524288xf32, #tpu.memory_space<hbm>> -> memref<2048xf32, #tpu.memory_space<hbm>>
        tpu.wait_dma2 semaphore(%run_scoped3A : memref<!tpu.dma_semaphore, #tpu.memory_space<semaphore_mem>>) src(%arg14 : memref<2048xf32, #tpu.memory_space<vmem>>) dst(%dma_wait3A_22 : memref<2048xf32, #tpu.memory_space<hbm>>)
        tpu.yield
      }) : () -> ()
      %add3A_20 = arith.addi %mul3A_2, %add3A_11 : i32
      "tpu.region"() ({
        %run_scoped3A = tpu.sem_alloc : memref<!tpu.dma_semaphore, #tpu.memory_space<semaphore_mem>>
        %dma_start3A = tpu.memref_slice %arg8[%add3A_20] : memref<524288xf32, #tpu.memory_space<hbm>> -> memref<2048xf32, #tpu.memory_space<hbm>>
        %dma_start3A_21 = tpu.memref_slice %arg8[%add3A_20] : memref<524288xf32, #tpu.memory_space<hbm>> -> memref<2048xf32, #tpu.memory_space<hbm>>
        tpu.enqueue_dma source(%arg15 : memref<2048xf32, #tpu.memory_space<vmem>>) target(%dma_start3A_21 : memref<2048xf32, #tpu.memory_space<hbm>>) target_semaphore(%run_scoped3A : memref<!tpu.dma_semaphore, #tpu.memory_space<semaphore_mem>>)
        %dma_wait3A = tpu.memref_slice %arg8[%add3A_20] : memref<524288xf32, #tpu.memory_space<hbm>> -> memref<2048xf32, #tpu.memory_space<hbm>>
        %dma_wait3A_22 = tpu.memref_slice %arg8[%add3A_20] : memref<524288xf32, #tpu.memory_space<hbm>> -> memref<2048xf32, #tpu.memory_space<hbm>>
        tpu.wait_dma2 semaphore(%run_scoped3A : memref<!tpu.dma_semaphore, #tpu.memory_space<semaphore_mem>>) src(%arg15 : memref<2048xf32, #tpu.memory_space<vmem>>) dst(%dma_wait3A_22 : memref<2048xf32, #tpu.memory_space<hbm>>)
        tpu.yield
      }) : () -> ()
    }
    %scan3A_6 = arith.constant 8 : i32
    return
  }
}

#map = affine_map<(d0, d1) -> (0, 0)>
module attributes {stable_mosaic.version = 14 : i64} {
  func.func @k(%arg0: i32, %arg1: i32, %arg2: memref<4096x128xi32, #tpu.memory_space<hbm>>, %arg3: memref<50000x128xf32, #tpu.memory_space<hbm>>, %arg4: memref<524288x128xf32, #tpu.memory_space<hbm>>, %arg5: memref<160x128xi32, #tpu.memory_space<vmem>>, %arg6: memref<128x128xf32, #tpu.memory_space<vmem>>, %arg7: memref<128x128xf32, #tpu.memory_space<vmem>>, %arg8: memref<128x128xf32, #tpu.memory_space<vmem>>, %arg9: memref<128x128xf32, #tpu.memory_space<vmem>>, %arg10: memref<4x!tpu.dma_semaphore, #tpu.memory_space<semaphore_mem>>, %arg11: memref<4x!tpu.dma_semaphore, #tpu.memory_space<semaphore_mem>>) attributes {dimension_semantics = [#tpu.dimension_semantics<core_parallel>, #tpu.dimension_semantics<subcore_parallel>], iteration_bounds = array<i64: 2, 16>, scalar_prefetch = 0 : i64, scratch_operands = 7 : i64, tpu.core_type = #tpu.core_type<sc_vector_subcore>, window_params = [{transform_indices = #map}, {transform_indices = #map}, {transform_indices = #map}]} {
    %eq3A = arith.constant 0 : i32
    %eq3A_0 = arith.cmpi eq, %arg0, %eq3A : i32
    %convert_element_type3A = arith.extui %eq3A_0 : i1 to i32
    %cond3A = arith.constant 0 : i32
    %cond3A_1 = arith.cmpi ne, %convert_element_type3A, %cond3A : i32
    scf.if %cond3A_1 {
      %mul3A = arith.constant 96 : i32
      %mul3A_7 = arith.muli %arg1, %mul3A : i32
      "tpu.region"() ({
        %run_scoped3A = tpu.sem_alloc : memref<!tpu.dma_semaphore, #tpu.memory_space<semaphore_mem>>
        %dma_start3A_51 = arith.constant 0 : i32
        %dma_start3A_52 = arith.constant 0 : i32
        %dma_start3A_53 = tpu.memref_slice %arg5[%dma_start3A_51, %dma_start3A_52] : memref<160x128xi32, #tpu.memory_space<vmem>> -> memref<96x128xi32, #tpu.memory_space<vmem>>
        %dma_start3A_54 = arith.constant 0 : i32
        %dma_start3A_55 = tpu.memref_slice %arg2[%mul3A_7, %dma_start3A_54] : memref<4096x128xi32, #tpu.memory_space<hbm>> -> memref<96x128xi32, #tpu.memory_space<hbm>>
        %dma_start3A_56 = arith.constant 0 : i32
        %dma_start3A_57 = arith.constant 0 : i32
        %dma_start3A_58 = tpu.memref_slice %arg5[%dma_start3A_56, %dma_start3A_57] : memref<160x128xi32, #tpu.memory_space<vmem>> -> memref<96x128xi32, #tpu.memory_space<vmem>>
        %dma_start3A_59 = arith.constant 0 : i32
        %dma_start3A_60 = tpu.memref_slice %arg2[%mul3A_7, %dma_start3A_59] : memref<4096x128xi32, #tpu.memory_space<hbm>> -> memref<96x128xi32, #tpu.memory_space<hbm>>
        tpu.enqueue_dma source(%dma_start3A_60 : memref<96x128xi32, #tpu.memory_space<hbm>>) target(%dma_start3A_58 : memref<96x128xi32, #tpu.memory_space<vmem>>) target_semaphore(%run_scoped3A : memref<!tpu.dma_semaphore, #tpu.memory_space<semaphore_mem>>)
        %dma_wait3A = arith.constant 0 : i32
        %dma_wait3A_61 = arith.constant 0 : i32
        %dma_wait3A_62 = tpu.memref_slice %arg5[%dma_wait3A, %dma_wait3A_61] : memref<160x128xi32, #tpu.memory_space<vmem>> -> memref<96x128xi32, #tpu.memory_space<vmem>>
        %dma_wait3A_63 = arith.constant 0 : i32
        %dma_wait3A_64 = tpu.memref_slice %arg2[%mul3A_7, %dma_wait3A_63] : memref<4096x128xi32, #tpu.memory_space<hbm>> -> memref<96x128xi32, #tpu.memory_space<hbm>>
        %dma_wait3A_65 = arith.constant 0 : i32
        %dma_wait3A_66 = arith.constant 0 : i32
        %dma_wait3A_67 = tpu.memref_slice %arg5[%dma_wait3A_65, %dma_wait3A_66] : memref<160x128xi32, #tpu.memory_space<vmem>> -> memref<96x128xi32, #tpu.memory_space<vmem>>
        %dma_wait3A_68 = arith.constant 0 : i32
        %dma_wait3A_69 = tpu.memref_slice %arg2[%mul3A_7, %dma_wait3A_68] : memref<4096x128xi32, #tpu.memory_space<hbm>> -> memref<96x128xi32, #tpu.memory_space<hbm>>
        tpu.wait_dma2 semaphore(%run_scoped3A : memref<!tpu.dma_semaphore, #tpu.memory_space<semaphore_mem>>) src(%dma_wait3A_69 : memref<96x128xi32, #tpu.memory_space<hbm>>) dst(%dma_wait3A_67 : memref<96x128xi32, #tpu.memory_space<vmem>>)
        tpu.yield
      }) : () -> ()
      %dma_start3A = arith.constant 0 : i32
      %dma_start3A_8 = arith.constant 0 : i32
      %dma_start3A_9 = arith.constant 0 : i32
      %dma_start3A_10 = tpu.memref_slice %arg5[%dma_start3A, %dma_start3A_9] : memref<160x128xi32, #tpu.memory_space<vmem>> -> memref<1x128xi32, #tpu.memory_space<vmem>>
      %dma_start3A_11 = tpu.memref_squeeze %dma_start3A_10 : memref<1x128xi32, #tpu.memory_space<vmem>> -> memref<128xi32, #tpu.memory_space<vmem>>
      %dma_start3A_12 = arith.constant 0 : i32
      %dma_start3A_13 = arith.constant 0 : i32
      %dma_start3A_14 = tpu.memref_slice %arg3[%dma_start3A_12, %dma_start3A_13] : memref<50000x128xf32, #tpu.memory_space<hbm>> -> memref<50000x128xf32, #tpu.memory_space<hbm>>
      %dma_start3A_15 = tpu.memref_slice %arg10[%dma_start3A_8] : memref<4x!tpu.dma_semaphore, #tpu.memory_space<semaphore_mem>> -> memref<1x!tpu.dma_semaphore, #tpu.memory_space<semaphore_mem>>
      %dma_start3A_16 = tpu.memref_squeeze %dma_start3A_15 : memref<1x!tpu.dma_semaphore, #tpu.memory_space<semaphore_mem>> -> memref<!tpu.dma_semaphore, #tpu.memory_space<semaphore_mem>>
      tpu.enqueue_indirect_dma source(%dma_start3A_14 : memref<50000x128xf32, #tpu.memory_space<hbm>>) target(%arg6 : memref<128x128xf32, #tpu.memory_space<vmem>>) offsets(%dma_start3A_11 : memref<128xi32, #tpu.memory_space<vmem>>) semaphore(%dma_start3A_16 : memref<!tpu.dma_semaphore, #tpu.memory_space<semaphore_mem>>)
      %dma_start3A_17 = arith.constant 1 : i32
      %dma_start3A_18 = arith.constant 1 : i32
      %dma_start3A_19 = arith.constant 0 : i32
      %dma_start3A_20 = tpu.memref_slice %arg5[%dma_start3A_17, %dma_start3A_19] : memref<160x128xi32, #tpu.memory_space<vmem>> -> memref<1x128xi32, #tpu.memory_space<vmem>>
      %dma_start3A_21 = tpu.memref_squeeze %dma_start3A_20 : memref<1x128xi32, #tpu.memory_space<vmem>> -> memref<128xi32, #tpu.memory_space<vmem>>
      %dma_start3A_22 = arith.constant 0 : i32
      %dma_start3A_23 = arith.constant 0 : i32
      %dma_start3A_24 = tpu.memref_slice %arg3[%dma_start3A_22, %dma_start3A_23] : memref<50000x128xf32, #tpu.memory_space<hbm>> -> memref<50000x128xf32, #tpu.memory_space<hbm>>
      %dma_start3A_25 = tpu.memref_slice %arg10[%dma_start3A_18] : memref<4x!tpu.dma_semaphore, #tpu.memory_space<semaphore_mem>> -> memref<1x!tpu.dma_semaphore, #tpu.memory_space<semaphore_mem>>
      %dma_start3A_26 = tpu.memref_squeeze %dma_start3A_25 : memref<1x!tpu.dma_semaphore, #tpu.memory_space<semaphore_mem>> -> memref<!tpu.dma_semaphore, #tpu.memory_space<semaphore_mem>>
      tpu.enqueue_indirect_dma source(%dma_start3A_24 : memref<50000x128xf32, #tpu.memory_space<hbm>>) target(%arg7 : memref<128x128xf32, #tpu.memory_space<vmem>>) offsets(%dma_start3A_21 : memref<128xi32, #tpu.memory_space<vmem>>) semaphore(%dma_start3A_26 : memref<!tpu.dma_semaphore, #tpu.memory_space<semaphore_mem>>)
      %dma_start3A_27 = arith.constant 2 : i32
      %dma_start3A_28 = arith.constant 2 : i32
      %dma_start3A_29 = arith.constant 0 : i32
      %dma_start3A_30 = tpu.memref_slice %arg5[%dma_start3A_27, %dma_start3A_29] : memref<160x128xi32, #tpu.memory_space<vmem>> -> memref<1x128xi32, #tpu.memory_space<vmem>>
      %dma_start3A_31 = tpu.memref_squeeze %dma_start3A_30 : memref<1x128xi32, #tpu.memory_space<vmem>> -> memref<128xi32, #tpu.memory_space<vmem>>
      %dma_start3A_32 = arith.constant 0 : i32
      %dma_start3A_33 = arith.constant 0 : i32
      %dma_start3A_34 = tpu.memref_slice %arg3[%dma_start3A_32, %dma_start3A_33] : memref<50000x128xf32, #tpu.memory_space<hbm>> -> memref<50000x128xf32, #tpu.memory_space<hbm>>
      %dma_start3A_35 = tpu.memref_slice %arg10[%dma_start3A_28] : memref<4x!tpu.dma_semaphore, #tpu.memory_space<semaphore_mem>> -> memref<1x!tpu.dma_semaphore, #tpu.memory_space<semaphore_mem>>
      %dma_start3A_36 = tpu.memref_squeeze %dma_start3A_35 : memref<1x!tpu.dma_semaphore, #tpu.memory_space<semaphore_mem>> -> memref<!tpu.dma_semaphore, #tpu.memory_space<semaphore_mem>>
      tpu.enqueue_indirect_dma source(%dma_start3A_34 : memref<50000x128xf32, #tpu.memory_space<hbm>>) target(%arg8 : memref<128x128xf32, #tpu.memory_space<vmem>>) offsets(%dma_start3A_31 : memref<128xi32, #tpu.memory_space<vmem>>) semaphore(%dma_start3A_36 : memref<!tpu.dma_semaphore, #tpu.memory_space<semaphore_mem>>)
      %dma_start3A_37 = arith.constant 3 : i32
      %dma_start3A_38 = arith.constant 3 : i32
      %dma_start3A_39 = arith.constant 0 : i32
      %dma_start3A_40 = tpu.memref_slice %arg5[%dma_start3A_37, %dma_start3A_39] : memref<160x128xi32, #tpu.memory_space<vmem>> -> memref<1x128xi32, #tpu.memory_space<vmem>>
      %dma_start3A_41 = tpu.memref_squeeze %dma_start3A_40 : memref<1x128xi32, #tpu.memory_space<vmem>> -> memref<128xi32, #tpu.memory_space<vmem>>
      %dma_start3A_42 = arith.constant 0 : i32
      %dma_start3A_43 = arith.constant 0 : i32
      %dma_start3A_44 = tpu.memref_slice %arg3[%dma_start3A_42, %dma_start3A_43] : memref<50000x128xf32, #tpu.memory_space<hbm>> -> memref<50000x128xf32, #tpu.memory_space<hbm>>
      %dma_start3A_45 = tpu.memref_slice %arg10[%dma_start3A_38] : memref<4x!tpu.dma_semaphore, #tpu.memory_space<semaphore_mem>> -> memref<1x!tpu.dma_semaphore, #tpu.memory_space<semaphore_mem>>
      %dma_start3A_46 = tpu.memref_squeeze %dma_start3A_45 : memref<1x!tpu.dma_semaphore, #tpu.memory_space<semaphore_mem>> -> memref<!tpu.dma_semaphore, #tpu.memory_space<semaphore_mem>>
      tpu.enqueue_indirect_dma source(%dma_start3A_44 : memref<50000x128xf32, #tpu.memory_space<hbm>>) target(%arg9 : memref<128x128xf32, #tpu.memory_space<vmem>>) offsets(%dma_start3A_41 : memref<128xi32, #tpu.memory_space<vmem>>) semaphore(%dma_start3A_46 : memref<!tpu.dma_semaphore, #tpu.memory_space<semaphore_mem>>)
      %scan3A = arith.constant 0 : i32
      %scan3A_47 = arith.constant 24 : i32
      %scan3A_48 = arith.addi %scan3A, %scan3A_47 : i32
      %scan3A_49 = arith.constant 1 : i32
      scf.for %scan3A_51 = %scan3A to %scan3A_48 step %scan3A_49  : i32 {
        %mul3A_52 = arith.constant 4 : i32
        %mul3A_53 = arith.muli %scan3A_51, %mul3A_52 : i32
        %add3A = arith.constant 0 : i32
        %add3A_54 = arith.addi %add3A, %mul3A_53 : i32
        %add3A_55 = arith.constant 0 : i32
        %add3A_56 = arith.addi %add3A_54, %add3A_55 : i32
        %dma_wait3A = arith.constant 0 : i32
        %dma_wait3A_57 = arith.constant 0 : i32
        %dma_wait3A_58 = tpu.memref_slice %arg5[%add3A_56, %dma_wait3A_57] : memref<160x128xi32, #tpu.memory_space<vmem>> -> memref<1x128xi32, #tpu.memory_space<vmem>>
        %dma_wait3A_59 = tpu.memref_squeeze %dma_wait3A_58 : memref<1x128xi32, #tpu.memory_space<vmem>> -> memref<128xi32, #tpu.memory_space<vmem>>
        %dma_wait3A_60 = arith.constant 0 : i32
        %dma_wait3A_61 = arith.constant 0 : i32
        %dma_wait3A_62 = tpu.memref_slice %arg3[%dma_wait3A_60, %dma_wait3A_61] : memref<50000x128xf32, #tpu.memory_space<hbm>> -> memref<50000x128xf32, #tpu.memory_space<hbm>>
        %dma_wait3A_63 = tpu.memref_slice %arg10[%dma_wait3A] : memref<4x!tpu.dma_semaphore, #tpu.memory_space<semaphore_mem>> -> memref<1x!tpu.dma_semaphore, #tpu.memory_space<semaphore_mem>>
        %dma_wait3A_64 = tpu.memref_squeeze %dma_wait3A_63 : memref<1x!tpu.dma_semaphore, #tpu.memory_space<semaphore_mem>> -> memref<!tpu.dma_semaphore, #tpu.memory_space<semaphore_mem>>
        tpu.wait_indirect_dma semaphore(%dma_wait3A_64 : memref<!tpu.dma_semaphore, #tpu.memory_space<semaphore_mem>>) src(%dma_wait3A_62 : memref<50000x128xf32, #tpu.memory_space<hbm>>) dst(%arg6 : memref<128x128xf32, #tpu.memory_space<vmem>>)
        %add3A_65 = arith.constant 0 : i32
        %add3A_66 = arith.addi %add3A_54, %add3A_65 : i32
        %add3A_67 = arith.addi %mul3A_7, %add3A_66 : i32
        %mul3A_68 = arith.constant 128 : i32
        %mul3A_69 = arith.muli %add3A_67, %mul3A_68 : i32
        %dma_start3A_70 = arith.constant 0 : i32
        %dma_start3A_71 = arith.constant 0 : i32
        %dma_start3A_72 = tpu.memref_slice %arg4[%mul3A_69, %dma_start3A_71] : memref<524288x128xf32, #tpu.memory_space<hbm>> -> memref<128x128xf32, #tpu.memory_space<hbm>>
        %dma_start3A_73 = tpu.memref_slice %arg11[%dma_start3A_70] : memref<4x!tpu.dma_semaphore, #tpu.memory_space<semaphore_mem>> -> memref<1x!tpu.dma_semaphore, #tpu.memory_space<semaphore_mem>>
        %dma_start3A_74 = tpu.memref_squeeze %dma_start3A_73 : memref<1x!tpu.dma_semaphore, #tpu.memory_space<semaphore_mem>> -> memref<!tpu.dma_semaphore, #tpu.memory_space<semaphore_mem>>
        %dma_start3A_75 = arith.constant 0 : i32
        %dma_start3A_76 = tpu.memref_slice %arg4[%mul3A_69, %dma_start3A_75] : memref<524288x128xf32, #tpu.memory_space<hbm>> -> memref<128x128xf32, #tpu.memory_space<hbm>>
        tpu.enqueue_dma source(%arg6 : memref<128x128xf32, #tpu.memory_space<vmem>>) target(%dma_start3A_76 : memref<128x128xf32, #tpu.memory_space<hbm>>) target_semaphore(%dma_start3A_74 : memref<!tpu.dma_semaphore, #tpu.memory_space<semaphore_mem>>)
        %add3A_77 = arith.constant 1 : i32
        %add3A_78 = arith.addi %add3A_54, %add3A_77 : i32
        %dma_wait3A_79 = arith.constant 1 : i32
        %dma_wait3A_80 = arith.constant 0 : i32
        %dma_wait3A_81 = tpu.memref_slice %arg5[%add3A_78, %dma_wait3A_80] : memref<160x128xi32, #tpu.memory_space<vmem>> -> memref<1x128xi32, #tpu.memory_space<vmem>>
        %dma_wait3A_82 = tpu.memref_squeeze %dma_wait3A_81 : memref<1x128xi32, #tpu.memory_space<vmem>> -> memref<128xi32, #tpu.memory_space<vmem>>
        %dma_wait3A_83 = arith.constant 0 : i32
        %dma_wait3A_84 = arith.constant 0 : i32
        %dma_wait3A_85 = tpu.memref_slice %arg3[%dma_wait3A_83, %dma_wait3A_84] : memref<50000x128xf32, #tpu.memory_space<hbm>> -> memref<50000x128xf32, #tpu.memory_space<hbm>>
        %dma_wait3A_86 = tpu.memref_slice %arg10[%dma_wait3A_79] : memref<4x!tpu.dma_semaphore, #tpu.memory_space<semaphore_mem>> -> memref<1x!tpu.dma_semaphore, #tpu.memory_space<semaphore_mem>>
        %dma_wait3A_87 = tpu.memref_squeeze %dma_wait3A_86 : memref<1x!tpu.dma_semaphore, #tpu.memory_space<semaphore_mem>> -> memref<!tpu.dma_semaphore, #tpu.memory_space<semaphore_mem>>
        tpu.wait_indirect_dma semaphore(%dma_wait3A_87 : memref<!tpu.dma_semaphore, #tpu.memory_space<semaphore_mem>>) src(%dma_wait3A_85 : memref<50000x128xf32, #tpu.memory_space<hbm>>) dst(%arg7 : memref<128x128xf32, #tpu.memory_space<vmem>>)
        %add3A_88 = arith.constant 1 : i32
        %add3A_89 = arith.addi %add3A_54, %add3A_88 : i32
        %add3A_90 = arith.addi %mul3A_7, %add3A_89 : i32
        %mul3A_91 = arith.constant 128 : i32
        %mul3A_92 = arith.muli %add3A_90, %mul3A_91 : i32
        %dma_start3A_93 = arith.constant 1 : i32
        %dma_start3A_94 = arith.constant 0 : i32
        %dma_start3A_95 = tpu.memref_slice %arg4[%mul3A_92, %dma_start3A_94] : memref<524288x128xf32, #tpu.memory_space<hbm>> -> memref<128x128xf32, #tpu.memory_space<hbm>>
        %dma_start3A_96 = tpu.memref_slice %arg11[%dma_start3A_93] : memref<4x!tpu.dma_semaphore, #tpu.memory_space<semaphore_mem>> -> memref<1x!tpu.dma_semaphore, #tpu.memory_space<semaphore_mem>>
        %dma_start3A_97 = tpu.memref_squeeze %dma_start3A_96 : memref<1x!tpu.dma_semaphore, #tpu.memory_space<semaphore_mem>> -> memref<!tpu.dma_semaphore, #tpu.memory_space<semaphore_mem>>
        %dma_start3A_98 = arith.constant 0 : i32
        %dma_start3A_99 = tpu.memref_slice %arg4[%mul3A_92, %dma_start3A_98] : memref<524288x128xf32, #tpu.memory_space<hbm>> -> memref<128x128xf32, #tpu.memory_space<hbm>>
        tpu.enqueue_dma source(%arg7 : memref<128x128xf32, #tpu.memory_space<vmem>>) target(%dma_start3A_99 : memref<128x128xf32, #tpu.memory_space<hbm>>) target_semaphore(%dma_start3A_97 : memref<!tpu.dma_semaphore, #tpu.memory_space<semaphore_mem>>)
        %add3A_100 = arith.constant 2 : i32
        %add3A_101 = arith.addi %add3A_54, %add3A_100 : i32
        %dma_wait3A_102 = arith.constant 2 : i32
        %dma_wait3A_103 = arith.constant 0 : i32
        %dma_wait3A_104 = tpu.memref_slice %arg5[%add3A_101, %dma_wait3A_103] : memref<160x128xi32, #tpu.memory_space<vmem>> -> memref<1x128xi32, #tpu.memory_space<vmem>>
        %dma_wait3A_105 = tpu.memref_squeeze %dma_wait3A_104 : memref<1x128xi32, #tpu.memory_space<vmem>> -> memref<128xi32, #tpu.memory_space<vmem>>
        %dma_wait3A_106 = arith.constant 0 : i32
        %dma_wait3A_107 = arith.constant 0 : i32
        %dma_wait3A_108 = tpu.memref_slice %arg3[%dma_wait3A_106, %dma_wait3A_107] : memref<50000x128xf32, #tpu.memory_space<hbm>> -> memref<50000x128xf32, #tpu.memory_space<hbm>>
        %dma_wait3A_109 = tpu.memref_slice %arg10[%dma_wait3A_102] : memref<4x!tpu.dma_semaphore, #tpu.memory_space<semaphore_mem>> -> memref<1x!tpu.dma_semaphore, #tpu.memory_space<semaphore_mem>>
        %dma_wait3A_110 = tpu.memref_squeeze %dma_wait3A_109 : memref<1x!tpu.dma_semaphore, #tpu.memory_space<semaphore_mem>> -> memref<!tpu.dma_semaphore, #tpu.memory_space<semaphore_mem>>
        tpu.wait_indirect_dma semaphore(%dma_wait3A_110 : memref<!tpu.dma_semaphore, #tpu.memory_space<semaphore_mem>>) src(%dma_wait3A_108 : memref<50000x128xf32, #tpu.memory_space<hbm>>) dst(%arg8 : memref<128x128xf32, #tpu.memory_space<vmem>>)
        %add3A_111 = arith.constant 2 : i32
        %add3A_112 = arith.addi %add3A_54, %add3A_111 : i32
        %add3A_113 = arith.addi %mul3A_7, %add3A_112 : i32
        %mul3A_114 = arith.constant 128 : i32
        %mul3A_115 = arith.muli %add3A_113, %mul3A_114 : i32
        %dma_start3A_116 = arith.constant 2 : i32
        %dma_start3A_117 = arith.constant 0 : i32
        %dma_start3A_118 = tpu.memref_slice %arg4[%mul3A_115, %dma_start3A_117] : memref<524288x128xf32, #tpu.memory_space<hbm>> -> memref<128x128xf32, #tpu.memory_space<hbm>>
        %dma_start3A_119 = tpu.memref_slice %arg11[%dma_start3A_116] : memref<4x!tpu.dma_semaphore, #tpu.memory_space<semaphore_mem>> -> memref<1x!tpu.dma_semaphore, #tpu.memory_space<semaphore_mem>>
        %dma_start3A_120 = tpu.memref_squeeze %dma_start3A_119 : memref<1x!tpu.dma_semaphore, #tpu.memory_space<semaphore_mem>> -> memref<!tpu.dma_semaphore, #tpu.memory_space<semaphore_mem>>
        %dma_start3A_121 = arith.constant 0 : i32
        %dma_start3A_122 = tpu.memref_slice %arg4[%mul3A_115, %dma_start3A_121] : memref<524288x128xf32, #tpu.memory_space<hbm>> -> memref<128x128xf32, #tpu.memory_space<hbm>>
        tpu.enqueue_dma source(%arg8 : memref<128x128xf32, #tpu.memory_space<vmem>>) target(%dma_start3A_122 : memref<128x128xf32, #tpu.memory_space<hbm>>) target_semaphore(%dma_start3A_120 : memref<!tpu.dma_semaphore, #tpu.memory_space<semaphore_mem>>)
        %add3A_123 = arith.constant 3 : i32
        %add3A_124 = arith.addi %add3A_54, %add3A_123 : i32
        %dma_wait3A_125 = arith.constant 3 : i32
        %dma_wait3A_126 = arith.constant 0 : i32
        %dma_wait3A_127 = tpu.memref_slice %arg5[%add3A_124, %dma_wait3A_126] : memref<160x128xi32, #tpu.memory_space<vmem>> -> memref<1x128xi32, #tpu.memory_space<vmem>>
        %dma_wait3A_128 = tpu.memref_squeeze %dma_wait3A_127 : memref<1x128xi32, #tpu.memory_space<vmem>> -> memref<128xi32, #tpu.memory_space<vmem>>
        %dma_wait3A_129 = arith.constant 0 : i32
        %dma_wait3A_130 = arith.constant 0 : i32
        %dma_wait3A_131 = tpu.memref_slice %arg3[%dma_wait3A_129, %dma_wait3A_130] : memref<50000x128xf32, #tpu.memory_space<hbm>> -> memref<50000x128xf32, #tpu.memory_space<hbm>>
        %dma_wait3A_132 = tpu.memref_slice %arg10[%dma_wait3A_125] : memref<4x!tpu.dma_semaphore, #tpu.memory_space<semaphore_mem>> -> memref<1x!tpu.dma_semaphore, #tpu.memory_space<semaphore_mem>>
        %dma_wait3A_133 = tpu.memref_squeeze %dma_wait3A_132 : memref<1x!tpu.dma_semaphore, #tpu.memory_space<semaphore_mem>> -> memref<!tpu.dma_semaphore, #tpu.memory_space<semaphore_mem>>
        tpu.wait_indirect_dma semaphore(%dma_wait3A_133 : memref<!tpu.dma_semaphore, #tpu.memory_space<semaphore_mem>>) src(%dma_wait3A_131 : memref<50000x128xf32, #tpu.memory_space<hbm>>) dst(%arg9 : memref<128x128xf32, #tpu.memory_space<vmem>>)
        %add3A_134 = arith.constant 3 : i32
        %add3A_135 = arith.addi %add3A_54, %add3A_134 : i32
        %add3A_136 = arith.addi %mul3A_7, %add3A_135 : i32
        %mul3A_137 = arith.constant 128 : i32
        %mul3A_138 = arith.muli %add3A_136, %mul3A_137 : i32
        %dma_start3A_139 = arith.constant 3 : i32
        %dma_start3A_140 = arith.constant 0 : i32
        %dma_start3A_141 = tpu.memref_slice %arg4[%mul3A_138, %dma_start3A_140] : memref<524288x128xf32, #tpu.memory_space<hbm>> -> memref<128x128xf32, #tpu.memory_space<hbm>>
        %dma_start3A_142 = tpu.memref_slice %arg11[%dma_start3A_139] : memref<4x!tpu.dma_semaphore, #tpu.memory_space<semaphore_mem>> -> memref<1x!tpu.dma_semaphore, #tpu.memory_space<semaphore_mem>>
        %dma_start3A_143 = tpu.memref_squeeze %dma_start3A_142 : memref<1x!tpu.dma_semaphore, #tpu.memory_space<semaphore_mem>> -> memref<!tpu.dma_semaphore, #tpu.memory_space<semaphore_mem>>
        %dma_start3A_144 = arith.constant 0 : i32
        %dma_start3A_145 = tpu.memref_slice %arg4[%mul3A_138, %dma_start3A_144] : memref<524288x128xf32, #tpu.memory_space<hbm>> -> memref<128x128xf32, #tpu.memory_space<hbm>>
        tpu.enqueue_dma source(%arg9 : memref<128x128xf32, #tpu.memory_space<vmem>>) target(%dma_start3A_145 : memref<128x128xf32, #tpu.memory_space<hbm>>) target_semaphore(%dma_start3A_143 : memref<!tpu.dma_semaphore, #tpu.memory_space<semaphore_mem>>)
        %add3A_146 = arith.constant 0 : i32
        %add3A_147 = arith.addi %add3A_54, %add3A_146 : i32
        %add3A_148 = arith.addi %mul3A_7, %add3A_147 : i32
        %mul3A_149 = arith.constant 128 : i32
        %mul3A_150 = arith.muli %add3A_148, %mul3A_149 : i32
        %dma_wait3A_151 = arith.constant 0 : i32
        %dma_wait3A_152 = arith.constant 0 : i32
        %dma_wait3A_153 = tpu.memref_slice %arg4[%mul3A_150, %dma_wait3A_152] : memref<524288x128xf32, #tpu.memory_space<hbm>> -> memref<128x128xf32, #tpu.memory_space<hbm>>
        %dma_wait3A_154 = tpu.memref_slice %arg11[%dma_wait3A_151] : memref<4x!tpu.dma_semaphore, #tpu.memory_space<semaphore_mem>> -> memref<1x!tpu.dma_semaphore, #tpu.memory_space<semaphore_mem>>
        %dma_wait3A_155 = tpu.memref_squeeze %dma_wait3A_154 : memref<1x!tpu.dma_semaphore, #tpu.memory_space<semaphore_mem>> -> memref<!tpu.dma_semaphore, #tpu.memory_space<semaphore_mem>>
        %dma_wait3A_156 = arith.constant 0 : i32
        %dma_wait3A_157 = tpu.memref_slice %arg4[%mul3A_150, %dma_wait3A_156] : memref<524288x128xf32, #tpu.memory_space<hbm>> -> memref<128x128xf32, #tpu.memory_space<hbm>>
        tpu.wait_dma2 semaphore(%dma_wait3A_155 : memref<!tpu.dma_semaphore, #tpu.memory_space<semaphore_mem>>) src(%arg6 : memref<128x128xf32, #tpu.memory_space<vmem>>) dst(%dma_wait3A_157 : memref<128x128xf32, #tpu.memory_space<hbm>>)
        %add3A_158 = arith.constant 4 : i32
        %add3A_159 = arith.addi %add3A_54, %add3A_158 : i32
        %lt3A = arith.constant 96 : i32
        %lt3A_160 = arith.cmpi slt, %add3A_159, %lt3A : i32
        %convert_element_type3A_161 = arith.extui %lt3A_160 : i1 to i32
        %cond3A_162 = arith.constant 0 : i32
        %cond3A_163 = arith.cmpi ne, %convert_element_type3A_161, %cond3A_162 : i32
        scf.if %cond3A_163 {
          %add3A_221 = arith.constant 4 : i32
          %add3A_222 = arith.addi %add3A_54, %add3A_221 : i32
          %add3A_223 = arith.constant 0 : i32
          %add3A_224 = arith.addi %add3A_222, %add3A_223 : i32
          %dma_start3A_225 = arith.constant 0 : i32
          %dma_start3A_226 = arith.constant 0 : i32
          %dma_start3A_227 = tpu.memref_slice %arg5[%add3A_224, %dma_start3A_226] : memref<160x128xi32, #tpu.memory_space<vmem>> -> memref<1x128xi32, #tpu.memory_space<vmem>>
          %dma_start3A_228 = tpu.memref_squeeze %dma_start3A_227 : memref<1x128xi32, #tpu.memory_space<vmem>> -> memref<128xi32, #tpu.memory_space<vmem>>
          %dma_start3A_229 = arith.constant 0 : i32
          %dma_start3A_230 = arith.constant 0 : i32
          %dma_start3A_231 = tpu.memref_slice %arg3[%dma_start3A_229, %dma_start3A_230] : memref<50000x128xf32, #tpu.memory_space<hbm>> -> memref<50000x128xf32, #tpu.memory_space<hbm>>
          %dma_start3A_232 = tpu.memref_slice %arg10[%dma_start3A_225] : memref<4x!tpu.dma_semaphore, #tpu.memory_space<semaphore_mem>> -> memref<1x!tpu.dma_semaphore, #tpu.memory_space<semaphore_mem>>
          %dma_start3A_233 = tpu.memref_squeeze %dma_start3A_232 : memref<1x!tpu.dma_semaphore, #tpu.memory_space<semaphore_mem>> -> memref<!tpu.dma_semaphore, #tpu.memory_space<semaphore_mem>>
          tpu.enqueue_indirect_dma source(%dma_start3A_231 : memref<50000x128xf32, #tpu.memory_space<hbm>>) target(%arg6 : memref<128x128xf32, #tpu.memory_space<vmem>>) offsets(%dma_start3A_228 : memref<128xi32, #tpu.memory_space<vmem>>) semaphore(%dma_start3A_233 : memref<!tpu.dma_semaphore, #tpu.memory_space<semaphore_mem>>)
        } else {
        }
        %add3A_164 = arith.constant 1 : i32
        %add3A_165 = arith.addi %add3A_54, %add3A_164 : i32
        %add3A_166 = arith.addi %mul3A_7, %add3A_165 : i32
        %mul3A_167 = arith.constant 128 : i32
        %mul3A_168 = arith.muli %add3A_166, %mul3A_167 : i32
        %dma_wait3A_169 = arith.constant 1 : i32
        %dma_wait3A_170 = arith.constant 0 : i32
        %dma_wait3A_171 = tpu.memref_slice %arg4[%mul3A_168, %dma_wait3A_170] : memref<524288x128xf32, #tpu.memory_space<hbm>> -> memref<128x128xf32, #tpu.memory_space<hbm>>
        %dma_wait3A_172 = tpu.memref_slice %arg11[%dma_wait3A_169] : memref<4x!tpu.dma_semaphore, #tpu.memory_space<semaphore_mem>> -> memref<1x!tpu.dma_semaphore, #tpu.memory_space<semaphore_mem>>
        %dma_wait3A_173 = tpu.memref_squeeze %dma_wait3A_172 : memref<1x!tpu.dma_semaphore, #tpu.memory_space<semaphore_mem>> -> memref<!tpu.dma_semaphore, #tpu.memory_space<semaphore_mem>>
        %dma_wait3A_174 = arith.constant 0 : i32
        %dma_wait3A_175 = tpu.memref_slice %arg4[%mul3A_168, %dma_wait3A_174] : memref<524288x128xf32, #tpu.memory_space<hbm>> -> memref<128x128xf32, #tpu.memory_space<hbm>>
        tpu.wait_dma2 semaphore(%dma_wait3A_173 : memref<!tpu.dma_semaphore, #tpu.memory_space<semaphore_mem>>) src(%arg7 : memref<128x128xf32, #tpu.memory_space<vmem>>) dst(%dma_wait3A_175 : memref<128x128xf32, #tpu.memory_space<hbm>>)
        %add3A_176 = arith.constant 4 : i32
        %add3A_177 = arith.addi %add3A_54, %add3A_176 : i32
        %lt3A_178 = arith.constant 96 : i32
        %lt3A_179 = arith.cmpi slt, %add3A_177, %lt3A_178 : i32
        %convert_element_type3A_180 = arith.extui %lt3A_179 : i1 to i32
        %cond3A_181 = arith.constant 0 : i32
        %cond3A_182 = arith.cmpi ne, %convert_element_type3A_180, %cond3A_181 : i32
        scf.if %cond3A_182 {
          %add3A_221 = arith.constant 4 : i32
          %add3A_222 = arith.addi %add3A_54, %add3A_221 : i32
          %add3A_223 = arith.constant 1 : i32
          %add3A_224 = arith.addi %add3A_222, %add3A_223 : i32
          %dma_start3A_225 = arith.constant 1 : i32
          %dma_start3A_226 = arith.constant 0 : i32
          %dma_start3A_227 = tpu.memref_slice %arg5[%add3A_224, %dma_start3A_226] : memref<160x128xi32, #tpu.memory_space<vmem>> -> memref<1x128xi32, #tpu.memory_space<vmem>>
          %dma_start3A_228 = tpu.memref_squeeze %dma_start3A_227 : memref<1x128xi32, #tpu.memory_space<vmem>> -> memref<128xi32, #tpu.memory_space<vmem>>
          %dma_start3A_229 = arith.constant 0 : i32
          %dma_start3A_230 = arith.constant 0 : i32
          %dma_start3A_231 = tpu.memref_slice %arg3[%dma_start3A_229, %dma_start3A_230] : memref<50000x128xf32, #tpu.memory_space<hbm>> -> memref<50000x128xf32, #tpu.memory_space<hbm>>
          %dma_start3A_232 = tpu.memref_slice %arg10[%dma_start3A_225] : memref<4x!tpu.dma_semaphore, #tpu.memory_space<semaphore_mem>> -> memref<1x!tpu.dma_semaphore, #tpu.memory_space<semaphore_mem>>
          %dma_start3A_233 = tpu.memref_squeeze %dma_start3A_232 : memref<1x!tpu.dma_semaphore, #tpu.memory_space<semaphore_mem>> -> memref<!tpu.dma_semaphore, #tpu.memory_space<semaphore_mem>>
          tpu.enqueue_indirect_dma source(%dma_start3A_231 : memref<50000x128xf32, #tpu.memory_space<hbm>>) target(%arg7 : memref<128x128xf32, #tpu.memory_space<vmem>>) offsets(%dma_start3A_228 : memref<128xi32, #tpu.memory_space<vmem>>) semaphore(%dma_start3A_233 : memref<!tpu.dma_semaphore, #tpu.memory_space<semaphore_mem>>)
        } else {
        }
        %add3A_183 = arith.constant 2 : i32
        %add3A_184 = arith.addi %add3A_54, %add3A_183 : i32
        %add3A_185 = arith.addi %mul3A_7, %add3A_184 : i32
        %mul3A_186 = arith.constant 128 : i32
        %mul3A_187 = arith.muli %add3A_185, %mul3A_186 : i32
        %dma_wait3A_188 = arith.constant 2 : i32
        %dma_wait3A_189 = arith.constant 0 : i32
        %dma_wait3A_190 = tpu.memref_slice %arg4[%mul3A_187, %dma_wait3A_189] : memref<524288x128xf32, #tpu.memory_space<hbm>> -> memref<128x128xf32, #tpu.memory_space<hbm>>
        %dma_wait3A_191 = tpu.memref_slice %arg11[%dma_wait3A_188] : memref<4x!tpu.dma_semaphore, #tpu.memory_space<semaphore_mem>> -> memref<1x!tpu.dma_semaphore, #tpu.memory_space<semaphore_mem>>
        %dma_wait3A_192 = tpu.memref_squeeze %dma_wait3A_191 : memref<1x!tpu.dma_semaphore, #tpu.memory_space<semaphore_mem>> -> memref<!tpu.dma_semaphore, #tpu.memory_space<semaphore_mem>>
        %dma_wait3A_193 = arith.constant 0 : i32
        %dma_wait3A_194 = tpu.memref_slice %arg4[%mul3A_187, %dma_wait3A_193] : memref<524288x128xf32, #tpu.memory_space<hbm>> -> memref<128x128xf32, #tpu.memory_space<hbm>>
        tpu.wait_dma2 semaphore(%dma_wait3A_192 : memref<!tpu.dma_semaphore, #tpu.memory_space<semaphore_mem>>) src(%arg8 : memref<128x128xf32, #tpu.memory_space<vmem>>) dst(%dma_wait3A_194 : memref<128x128xf32, #tpu.memory_space<hbm>>)
        %add3A_195 = arith.constant 4 : i32
        %add3A_196 = arith.addi %add3A_54, %add3A_195 : i32
        %lt3A_197 = arith.constant 96 : i32
        %lt3A_198 = arith.cmpi slt, %add3A_196, %lt3A_197 : i32
        %convert_element_type3A_199 = arith.extui %lt3A_198 : i1 to i32
        %cond3A_200 = arith.constant 0 : i32
        %cond3A_201 = arith.cmpi ne, %convert_element_type3A_199, %cond3A_200 : i32
        scf.if %cond3A_201 {
          %add3A_221 = arith.constant 4 : i32
          %add3A_222 = arith.addi %add3A_54, %add3A_221 : i32
          %add3A_223 = arith.constant 2 : i32
          %add3A_224 = arith.addi %add3A_222, %add3A_223 : i32
          %dma_start3A_225 = arith.constant 2 : i32
          %dma_start3A_226 = arith.constant 0 : i32
          %dma_start3A_227 = tpu.memref_slice %arg5[%add3A_224, %dma_start3A_226] : memref<160x128xi32, #tpu.memory_space<vmem>> -> memref<1x128xi32, #tpu.memory_space<vmem>>
          %dma_start3A_228 = tpu.memref_squeeze %dma_start3A_227 : memref<1x128xi32, #tpu.memory_space<vmem>> -> memref<128xi32, #tpu.memory_space<vmem>>
          %dma_start3A_229 = arith.constant 0 : i32
          %dma_start3A_230 = arith.constant 0 : i32
          %dma_start3A_231 = tpu.memref_slice %arg3[%dma_start3A_229, %dma_start3A_230] : memref<50000x128xf32, #tpu.memory_space<hbm>> -> memref<50000x128xf32, #tpu.memory_space<hbm>>
          %dma_start3A_232 = tpu.memref_slice %arg10[%dma_start3A_225] : memref<4x!tpu.dma_semaphore, #tpu.memory_space<semaphore_mem>> -> memref<1x!tpu.dma_semaphore, #tpu.memory_space<semaphore_mem>>
          %dma_start3A_233 = tpu.memref_squeeze %dma_start3A_232 : memref<1x!tpu.dma_semaphore, #tpu.memory_space<semaphore_mem>> -> memref<!tpu.dma_semaphore, #tpu.memory_space<semaphore_mem>>
          tpu.enqueue_indirect_dma source(%dma_start3A_231 : memref<50000x128xf32, #tpu.memory_space<hbm>>) target(%arg8 : memref<128x128xf32, #tpu.memory_space<vmem>>) offsets(%dma_start3A_228 : memref<128xi32, #tpu.memory_space<vmem>>) semaphore(%dma_start3A_233 : memref<!tpu.dma_semaphore, #tpu.memory_space<semaphore_mem>>)
        } else {
        }
        %add3A_202 = arith.constant 3 : i32
        %add3A_203 = arith.addi %add3A_54, %add3A_202 : i32
        %add3A_204 = arith.addi %mul3A_7, %add3A_203 : i32
        %mul3A_205 = arith.constant 128 : i32
        %mul3A_206 = arith.muli %add3A_204, %mul3A_205 : i32
        %dma_wait3A_207 = arith.constant 3 : i32
        %dma_wait3A_208 = arith.constant 0 : i32
        %dma_wait3A_209 = tpu.memref_slice %arg4[%mul3A_206, %dma_wait3A_208] : memref<524288x128xf32, #tpu.memory_space<hbm>> -> memref<128x128xf32, #tpu.memory_space<hbm>>
        %dma_wait3A_210 = tpu.memref_slice %arg11[%dma_wait3A_207] : memref<4x!tpu.dma_semaphore, #tpu.memory_space<semaphore_mem>> -> memref<1x!tpu.dma_semaphore, #tpu.memory_space<semaphore_mem>>
        %dma_wait3A_211 = tpu.memref_squeeze %dma_wait3A_210 : memref<1x!tpu.dma_semaphore, #tpu.memory_space<semaphore_mem>> -> memref<!tpu.dma_semaphore, #tpu.memory_space<semaphore_mem>>
        %dma_wait3A_212 = arith.constant 0 : i32
        %dma_wait3A_213 = tpu.memref_slice %arg4[%mul3A_206, %dma_wait3A_212] : memref<524288x128xf32, #tpu.memory_space<hbm>> -> memref<128x128xf32, #tpu.memory_space<hbm>>
        tpu.wait_dma2 semaphore(%dma_wait3A_211 : memref<!tpu.dma_semaphore, #tpu.memory_space<semaphore_mem>>) src(%arg9 : memref<128x128xf32, #tpu.memory_space<vmem>>) dst(%dma_wait3A_213 : memref<128x128xf32, #tpu.memory_space<hbm>>)
        %add3A_214 = arith.constant 4 : i32
        %add3A_215 = arith.addi %add3A_54, %add3A_214 : i32
        %lt3A_216 = arith.constant 96 : i32
        %lt3A_217 = arith.cmpi slt, %add3A_215, %lt3A_216 : i32
        %convert_element_type3A_218 = arith.extui %lt3A_217 : i1 to i32
        %cond3A_219 = arith.constant 0 : i32
        %cond3A_220 = arith.cmpi ne, %convert_element_type3A_218, %cond3A_219 : i32
        scf.if %cond3A_220 {
          %add3A_221 = arith.constant 4 : i32
          %add3A_222 = arith.addi %add3A_54, %add3A_221 : i32
          %add3A_223 = arith.constant 3 : i32
          %add3A_224 = arith.addi %add3A_222, %add3A_223 : i32
          %dma_start3A_225 = arith.constant 3 : i32
          %dma_start3A_226 = arith.constant 0 : i32
          %dma_start3A_227 = tpu.memref_slice %arg5[%add3A_224, %dma_start3A_226] : memref<160x128xi32, #tpu.memory_space<vmem>> -> memref<1x128xi32, #tpu.memory_space<vmem>>
          %dma_start3A_228 = tpu.memref_squeeze %dma_start3A_227 : memref<1x128xi32, #tpu.memory_space<vmem>> -> memref<128xi32, #tpu.memory_space<vmem>>
          %dma_start3A_229 = arith.constant 0 : i32
          %dma_start3A_230 = arith.constant 0 : i32
          %dma_start3A_231 = tpu.memref_slice %arg3[%dma_start3A_229, %dma_start3A_230] : memref<50000x128xf32, #tpu.memory_space<hbm>> -> memref<50000x128xf32, #tpu.memory_space<hbm>>
          %dma_start3A_232 = tpu.memref_slice %arg10[%dma_start3A_225] : memref<4x!tpu.dma_semaphore, #tpu.memory_space<semaphore_mem>> -> memref<1x!tpu.dma_semaphore, #tpu.memory_space<semaphore_mem>>
          %dma_start3A_233 = tpu.memref_squeeze %dma_start3A_232 : memref<1x!tpu.dma_semaphore, #tpu.memory_space<semaphore_mem>> -> memref<!tpu.dma_semaphore, #tpu.memory_space<semaphore_mem>>
          tpu.enqueue_indirect_dma source(%dma_start3A_231 : memref<50000x128xf32, #tpu.memory_space<hbm>>) target(%arg9 : memref<128x128xf32, #tpu.memory_space<vmem>>) offsets(%dma_start3A_228 : memref<128xi32, #tpu.memory_space<vmem>>) semaphore(%dma_start3A_233 : memref<!tpu.dma_semaphore, #tpu.memory_space<semaphore_mem>>)
        } else {
        }
      }
      %scan3A_50 = arith.constant 24 : i32
    } else {
    }
    %eq3A_2 = arith.constant 1 : i32
    %eq3A_3 = arith.cmpi eq, %arg0, %eq3A_2 : i32
    %convert_element_type3A_4 = arith.extui %eq3A_3 : i1 to i32
    %cond3A_5 = arith.constant 0 : i32
    %cond3A_6 = arith.cmpi ne, %convert_element_type3A_4, %cond3A_5 : i32
    scf.if %cond3A_6 {
      %mul3A = arith.constant 160 : i32
      %mul3A_7 = arith.muli %arg1, %mul3A : i32
      %add3A = arith.constant 1536 : i32
      %add3A_8 = arith.addi %add3A, %mul3A_7 : i32
      "tpu.region"() ({
        %run_scoped3A = tpu.sem_alloc : memref<!tpu.dma_semaphore, #tpu.memory_space<semaphore_mem>>
        %dma_start3A_52 = arith.constant 0 : i32
        %dma_start3A_53 = arith.constant 0 : i32
        %dma_start3A_54 = tpu.memref_slice %arg5[%dma_start3A_52, %dma_start3A_53] : memref<160x128xi32, #tpu.memory_space<vmem>> -> memref<160x128xi32, #tpu.memory_space<vmem>>
        %dma_start3A_55 = arith.constant 0 : i32
        %dma_start3A_56 = tpu.memref_slice %arg2[%add3A_8, %dma_start3A_55] : memref<4096x128xi32, #tpu.memory_space<hbm>> -> memref<160x128xi32, #tpu.memory_space<hbm>>
        %dma_start3A_57 = arith.constant 0 : i32
        %dma_start3A_58 = arith.constant 0 : i32
        %dma_start3A_59 = tpu.memref_slice %arg5[%dma_start3A_57, %dma_start3A_58] : memref<160x128xi32, #tpu.memory_space<vmem>> -> memref<160x128xi32, #tpu.memory_space<vmem>>
        %dma_start3A_60 = arith.constant 0 : i32
        %dma_start3A_61 = tpu.memref_slice %arg2[%add3A_8, %dma_start3A_60] : memref<4096x128xi32, #tpu.memory_space<hbm>> -> memref<160x128xi32, #tpu.memory_space<hbm>>
        tpu.enqueue_dma source(%dma_start3A_61 : memref<160x128xi32, #tpu.memory_space<hbm>>) target(%dma_start3A_59 : memref<160x128xi32, #tpu.memory_space<vmem>>) target_semaphore(%run_scoped3A : memref<!tpu.dma_semaphore, #tpu.memory_space<semaphore_mem>>)
        %dma_wait3A = arith.constant 0 : i32
        %dma_wait3A_62 = arith.constant 0 : i32
        %dma_wait3A_63 = tpu.memref_slice %arg5[%dma_wait3A, %dma_wait3A_62] : memref<160x128xi32, #tpu.memory_space<vmem>> -> memref<160x128xi32, #tpu.memory_space<vmem>>
        %dma_wait3A_64 = arith.constant 0 : i32
        %dma_wait3A_65 = tpu.memref_slice %arg2[%add3A_8, %dma_wait3A_64] : memref<4096x128xi32, #tpu.memory_space<hbm>> -> memref<160x128xi32, #tpu.memory_space<hbm>>
        %dma_wait3A_66 = arith.constant 0 : i32
        %dma_wait3A_67 = arith.constant 0 : i32
        %dma_wait3A_68 = tpu.memref_slice %arg5[%dma_wait3A_66, %dma_wait3A_67] : memref<160x128xi32, #tpu.memory_space<vmem>> -> memref<160x128xi32, #tpu.memory_space<vmem>>
        %dma_wait3A_69 = arith.constant 0 : i32
        %dma_wait3A_70 = tpu.memref_slice %arg2[%add3A_8, %dma_wait3A_69] : memref<4096x128xi32, #tpu.memory_space<hbm>> -> memref<160x128xi32, #tpu.memory_space<hbm>>
        tpu.wait_dma2 semaphore(%run_scoped3A : memref<!tpu.dma_semaphore, #tpu.memory_space<semaphore_mem>>) src(%dma_wait3A_70 : memref<160x128xi32, #tpu.memory_space<hbm>>) dst(%dma_wait3A_68 : memref<160x128xi32, #tpu.memory_space<vmem>>)
        tpu.yield
      }) : () -> ()
      %dma_start3A = arith.constant 0 : i32
      %dma_start3A_9 = arith.constant 0 : i32
      %dma_start3A_10 = arith.constant 0 : i32
      %dma_start3A_11 = tpu.memref_slice %arg5[%dma_start3A, %dma_start3A_10] : memref<160x128xi32, #tpu.memory_space<vmem>> -> memref<1x128xi32, #tpu.memory_space<vmem>>
      %dma_start3A_12 = tpu.memref_squeeze %dma_start3A_11 : memref<1x128xi32, #tpu.memory_space<vmem>> -> memref<128xi32, #tpu.memory_space<vmem>>
      %dma_start3A_13 = arith.constant 0 : i32
      %dma_start3A_14 = arith.constant 0 : i32
      %dma_start3A_15 = tpu.memref_slice %arg3[%dma_start3A_13, %dma_start3A_14] : memref<50000x128xf32, #tpu.memory_space<hbm>> -> memref<50000x128xf32, #tpu.memory_space<hbm>>
      %dma_start3A_16 = tpu.memref_slice %arg10[%dma_start3A_9] : memref<4x!tpu.dma_semaphore, #tpu.memory_space<semaphore_mem>> -> memref<1x!tpu.dma_semaphore, #tpu.memory_space<semaphore_mem>>
      %dma_start3A_17 = tpu.memref_squeeze %dma_start3A_16 : memref<1x!tpu.dma_semaphore, #tpu.memory_space<semaphore_mem>> -> memref<!tpu.dma_semaphore, #tpu.memory_space<semaphore_mem>>
      tpu.enqueue_indirect_dma source(%dma_start3A_15 : memref<50000x128xf32, #tpu.memory_space<hbm>>) target(%arg6 : memref<128x128xf32, #tpu.memory_space<vmem>>) offsets(%dma_start3A_12 : memref<128xi32, #tpu.memory_space<vmem>>) semaphore(%dma_start3A_17 : memref<!tpu.dma_semaphore, #tpu.memory_space<semaphore_mem>>)
      %dma_start3A_18 = arith.constant 1 : i32
      %dma_start3A_19 = arith.constant 1 : i32
      %dma_start3A_20 = arith.constant 0 : i32
      %dma_start3A_21 = tpu.memref_slice %arg5[%dma_start3A_18, %dma_start3A_20] : memref<160x128xi32, #tpu.memory_space<vmem>> -> memref<1x128xi32, #tpu.memory_space<vmem>>
      %dma_start3A_22 = tpu.memref_squeeze %dma_start3A_21 : memref<1x128xi32, #tpu.memory_space<vmem>> -> memref<128xi32, #tpu.memory_space<vmem>>
      %dma_start3A_23 = arith.constant 0 : i32
      %dma_start3A_24 = arith.constant 0 : i32
      %dma_start3A_25 = tpu.memref_slice %arg3[%dma_start3A_23, %dma_start3A_24] : memref<50000x128xf32, #tpu.memory_space<hbm>> -> memref<50000x128xf32, #tpu.memory_space<hbm>>
      %dma_start3A_26 = tpu.memref_slice %arg10[%dma_start3A_19] : memref<4x!tpu.dma_semaphore, #tpu.memory_space<semaphore_mem>> -> memref<1x!tpu.dma_semaphore, #tpu.memory_space<semaphore_mem>>
      %dma_start3A_27 = tpu.memref_squeeze %dma_start3A_26 : memref<1x!tpu.dma_semaphore, #tpu.memory_space<semaphore_mem>> -> memref<!tpu.dma_semaphore, #tpu.memory_space<semaphore_mem>>
      tpu.enqueue_indirect_dma source(%dma_start3A_25 : memref<50000x128xf32, #tpu.memory_space<hbm>>) target(%arg7 : memref<128x128xf32, #tpu.memory_space<vmem>>) offsets(%dma_start3A_22 : memref<128xi32, #tpu.memory_space<vmem>>) semaphore(%dma_start3A_27 : memref<!tpu.dma_semaphore, #tpu.memory_space<semaphore_mem>>)
      %dma_start3A_28 = arith.constant 2 : i32
      %dma_start3A_29 = arith.constant 2 : i32
      %dma_start3A_30 = arith.constant 0 : i32
      %dma_start3A_31 = tpu.memref_slice %arg5[%dma_start3A_28, %dma_start3A_30] : memref<160x128xi32, #tpu.memory_space<vmem>> -> memref<1x128xi32, #tpu.memory_space<vmem>>
      %dma_start3A_32 = tpu.memref_squeeze %dma_start3A_31 : memref<1x128xi32, #tpu.memory_space<vmem>> -> memref<128xi32, #tpu.memory_space<vmem>>
      %dma_start3A_33 = arith.constant 0 : i32
      %dma_start3A_34 = arith.constant 0 : i32
      %dma_start3A_35 = tpu.memref_slice %arg3[%dma_start3A_33, %dma_start3A_34] : memref<50000x128xf32, #tpu.memory_space<hbm>> -> memref<50000x128xf32, #tpu.memory_space<hbm>>
      %dma_start3A_36 = tpu.memref_slice %arg10[%dma_start3A_29] : memref<4x!tpu.dma_semaphore, #tpu.memory_space<semaphore_mem>> -> memref<1x!tpu.dma_semaphore, #tpu.memory_space<semaphore_mem>>
      %dma_start3A_37 = tpu.memref_squeeze %dma_start3A_36 : memref<1x!tpu.dma_semaphore, #tpu.memory_space<semaphore_mem>> -> memref<!tpu.dma_semaphore, #tpu.memory_space<semaphore_mem>>
      tpu.enqueue_indirect_dma source(%dma_start3A_35 : memref<50000x128xf32, #tpu.memory_space<hbm>>) target(%arg8 : memref<128x128xf32, #tpu.memory_space<vmem>>) offsets(%dma_start3A_32 : memref<128xi32, #tpu.memory_space<vmem>>) semaphore(%dma_start3A_37 : memref<!tpu.dma_semaphore, #tpu.memory_space<semaphore_mem>>)
      %dma_start3A_38 = arith.constant 3 : i32
      %dma_start3A_39 = arith.constant 3 : i32
      %dma_start3A_40 = arith.constant 0 : i32
      %dma_start3A_41 = tpu.memref_slice %arg5[%dma_start3A_38, %dma_start3A_40] : memref<160x128xi32, #tpu.memory_space<vmem>> -> memref<1x128xi32, #tpu.memory_space<vmem>>
      %dma_start3A_42 = tpu.memref_squeeze %dma_start3A_41 : memref<1x128xi32, #tpu.memory_space<vmem>> -> memref<128xi32, #tpu.memory_space<vmem>>
      %dma_start3A_43 = arith.constant 0 : i32
      %dma_start3A_44 = arith.constant 0 : i32
      %dma_start3A_45 = tpu.memref_slice %arg3[%dma_start3A_43, %dma_start3A_44] : memref<50000x128xf32, #tpu.memory_space<hbm>> -> memref<50000x128xf32, #tpu.memory_space<hbm>>
      %dma_start3A_46 = tpu.memref_slice %arg10[%dma_start3A_39] : memref<4x!tpu.dma_semaphore, #tpu.memory_space<semaphore_mem>> -> memref<1x!tpu.dma_semaphore, #tpu.memory_space<semaphore_mem>>
      %dma_start3A_47 = tpu.memref_squeeze %dma_start3A_46 : memref<1x!tpu.dma_semaphore, #tpu.memory_space<semaphore_mem>> -> memref<!tpu.dma_semaphore, #tpu.memory_space<semaphore_mem>>
      tpu.enqueue_indirect_dma source(%dma_start3A_45 : memref<50000x128xf32, #tpu.memory_space<hbm>>) target(%arg9 : memref<128x128xf32, #tpu.memory_space<vmem>>) offsets(%dma_start3A_42 : memref<128xi32, #tpu.memory_space<vmem>>) semaphore(%dma_start3A_47 : memref<!tpu.dma_semaphore, #tpu.memory_space<semaphore_mem>>)
      %scan3A = arith.constant 0 : i32
      %scan3A_48 = arith.constant 40 : i32
      %scan3A_49 = arith.addi %scan3A, %scan3A_48 : i32
      %scan3A_50 = arith.constant 1 : i32
      scf.for %scan3A_52 = %scan3A to %scan3A_49 step %scan3A_50  : i32 {
        %mul3A_53 = arith.constant 4 : i32
        %mul3A_54 = arith.muli %scan3A_52, %mul3A_53 : i32
        %add3A_55 = arith.constant 0 : i32
        %add3A_56 = arith.addi %add3A_55, %mul3A_54 : i32
        %add3A_57 = arith.constant 0 : i32
        %add3A_58 = arith.addi %add3A_56, %add3A_57 : i32
        %dma_wait3A = arith.constant 0 : i32
        %dma_wait3A_59 = arith.constant 0 : i32
        %dma_wait3A_60 = tpu.memref_slice %arg5[%add3A_58, %dma_wait3A_59] : memref<160x128xi32, #tpu.memory_space<vmem>> -> memref<1x128xi32, #tpu.memory_space<vmem>>
        %dma_wait3A_61 = tpu.memref_squeeze %dma_wait3A_60 : memref<1x128xi32, #tpu.memory_space<vmem>> -> memref<128xi32, #tpu.memory_space<vmem>>
        %dma_wait3A_62 = arith.constant 0 : i32
        %dma_wait3A_63 = arith.constant 0 : i32
        %dma_wait3A_64 = tpu.memref_slice %arg3[%dma_wait3A_62, %dma_wait3A_63] : memref<50000x128xf32, #tpu.memory_space<hbm>> -> memref<50000x128xf32, #tpu.memory_space<hbm>>
        %dma_wait3A_65 = tpu.memref_slice %arg10[%dma_wait3A] : memref<4x!tpu.dma_semaphore, #tpu.memory_space<semaphore_mem>> -> memref<1x!tpu.dma_semaphore, #tpu.memory_space<semaphore_mem>>
        %dma_wait3A_66 = tpu.memref_squeeze %dma_wait3A_65 : memref<1x!tpu.dma_semaphore, #tpu.memory_space<semaphore_mem>> -> memref<!tpu.dma_semaphore, #tpu.memory_space<semaphore_mem>>
        tpu.wait_indirect_dma semaphore(%dma_wait3A_66 : memref<!tpu.dma_semaphore, #tpu.memory_space<semaphore_mem>>) src(%dma_wait3A_64 : memref<50000x128xf32, #tpu.memory_space<hbm>>) dst(%arg6 : memref<128x128xf32, #tpu.memory_space<vmem>>)
        %add3A_67 = arith.constant 0 : i32
        %add3A_68 = arith.addi %add3A_56, %add3A_67 : i32
        %add3A_69 = arith.addi %add3A_8, %add3A_68 : i32
        %mul3A_70 = arith.constant 128 : i32
        %mul3A_71 = arith.muli %add3A_69, %mul3A_70 : i32
        %dma_start3A_72 = arith.constant 0 : i32
        %dma_start3A_73 = arith.constant 0 : i32
        %dma_start3A_74 = tpu.memref_slice %arg4[%mul3A_71, %dma_start3A_73] : memref<524288x128xf32, #tpu.memory_space<hbm>> -> memref<128x128xf32, #tpu.memory_space<hbm>>
        %dma_start3A_75 = tpu.memref_slice %arg11[%dma_start3A_72] : memref<4x!tpu.dma_semaphore, #tpu.memory_space<semaphore_mem>> -> memref<1x!tpu.dma_semaphore, #tpu.memory_space<semaphore_mem>>
        %dma_start3A_76 = tpu.memref_squeeze %dma_start3A_75 : memref<1x!tpu.dma_semaphore, #tpu.memory_space<semaphore_mem>> -> memref<!tpu.dma_semaphore, #tpu.memory_space<semaphore_mem>>
        %dma_start3A_77 = arith.constant 0 : i32
        %dma_start3A_78 = tpu.memref_slice %arg4[%mul3A_71, %dma_start3A_77] : memref<524288x128xf32, #tpu.memory_space<hbm>> -> memref<128x128xf32, #tpu.memory_space<hbm>>
        tpu.enqueue_dma source(%arg6 : memref<128x128xf32, #tpu.memory_space<vmem>>) target(%dma_start3A_78 : memref<128x128xf32, #tpu.memory_space<hbm>>) target_semaphore(%dma_start3A_76 : memref<!tpu.dma_semaphore, #tpu.memory_space<semaphore_mem>>)
        %add3A_79 = arith.constant 1 : i32
        %add3A_80 = arith.addi %add3A_56, %add3A_79 : i32
        %dma_wait3A_81 = arith.constant 1 : i32
        %dma_wait3A_82 = arith.constant 0 : i32
        %dma_wait3A_83 = tpu.memref_slice %arg5[%add3A_80, %dma_wait3A_82] : memref<160x128xi32, #tpu.memory_space<vmem>> -> memref<1x128xi32, #tpu.memory_space<vmem>>
        %dma_wait3A_84 = tpu.memref_squeeze %dma_wait3A_83 : memref<1x128xi32, #tpu.memory_space<vmem>> -> memref<128xi32, #tpu.memory_space<vmem>>
        %dma_wait3A_85 = arith.constant 0 : i32
        %dma_wait3A_86 = arith.constant 0 : i32
        %dma_wait3A_87 = tpu.memref_slice %arg3[%dma_wait3A_85, %dma_wait3A_86] : memref<50000x128xf32, #tpu.memory_space<hbm>> -> memref<50000x128xf32, #tpu.memory_space<hbm>>
        %dma_wait3A_88 = tpu.memref_slice %arg10[%dma_wait3A_81] : memref<4x!tpu.dma_semaphore, #tpu.memory_space<semaphore_mem>> -> memref<1x!tpu.dma_semaphore, #tpu.memory_space<semaphore_mem>>
        %dma_wait3A_89 = tpu.memref_squeeze %dma_wait3A_88 : memref<1x!tpu.dma_semaphore, #tpu.memory_space<semaphore_mem>> -> memref<!tpu.dma_semaphore, #tpu.memory_space<semaphore_mem>>
        tpu.wait_indirect_dma semaphore(%dma_wait3A_89 : memref<!tpu.dma_semaphore, #tpu.memory_space<semaphore_mem>>) src(%dma_wait3A_87 : memref<50000x128xf32, #tpu.memory_space<hbm>>) dst(%arg7 : memref<128x128xf32, #tpu.memory_space<vmem>>)
        %add3A_90 = arith.constant 1 : i32
        %add3A_91 = arith.addi %add3A_56, %add3A_90 : i32
        %add3A_92 = arith.addi %add3A_8, %add3A_91 : i32
        %mul3A_93 = arith.constant 128 : i32
        %mul3A_94 = arith.muli %add3A_92, %mul3A_93 : i32
        %dma_start3A_95 = arith.constant 1 : i32
        %dma_start3A_96 = arith.constant 0 : i32
        %dma_start3A_97 = tpu.memref_slice %arg4[%mul3A_94, %dma_start3A_96] : memref<524288x128xf32, #tpu.memory_space<hbm>> -> memref<128x128xf32, #tpu.memory_space<hbm>>
        %dma_start3A_98 = tpu.memref_slice %arg11[%dma_start3A_95] : memref<4x!tpu.dma_semaphore, #tpu.memory_space<semaphore_mem>> -> memref<1x!tpu.dma_semaphore, #tpu.memory_space<semaphore_mem>>
        %dma_start3A_99 = tpu.memref_squeeze %dma_start3A_98 : memref<1x!tpu.dma_semaphore, #tpu.memory_space<semaphore_mem>> -> memref<!tpu.dma_semaphore, #tpu.memory_space<semaphore_mem>>
        %dma_start3A_100 = arith.constant 0 : i32
        %dma_start3A_101 = tpu.memref_slice %arg4[%mul3A_94, %dma_start3A_100] : memref<524288x128xf32, #tpu.memory_space<hbm>> -> memref<128x128xf32, #tpu.memory_space<hbm>>
        tpu.enqueue_dma source(%arg7 : memref<128x128xf32, #tpu.memory_space<vmem>>) target(%dma_start3A_101 : memref<128x128xf32, #tpu.memory_space<hbm>>) target_semaphore(%dma_start3A_99 : memref<!tpu.dma_semaphore, #tpu.memory_space<semaphore_mem>>)
        %add3A_102 = arith.constant 2 : i32
        %add3A_103 = arith.addi %add3A_56, %add3A_102 : i32
        %dma_wait3A_104 = arith.constant 2 : i32
        %dma_wait3A_105 = arith.constant 0 : i32
        %dma_wait3A_106 = tpu.memref_slice %arg5[%add3A_103, %dma_wait3A_105] : memref<160x128xi32, #tpu.memory_space<vmem>> -> memref<1x128xi32, #tpu.memory_space<vmem>>
        %dma_wait3A_107 = tpu.memref_squeeze %dma_wait3A_106 : memref<1x128xi32, #tpu.memory_space<vmem>> -> memref<128xi32, #tpu.memory_space<vmem>>
        %dma_wait3A_108 = arith.constant 0 : i32
        %dma_wait3A_109 = arith.constant 0 : i32
        %dma_wait3A_110 = tpu.memref_slice %arg3[%dma_wait3A_108, %dma_wait3A_109] : memref<50000x128xf32, #tpu.memory_space<hbm>> -> memref<50000x128xf32, #tpu.memory_space<hbm>>
        %dma_wait3A_111 = tpu.memref_slice %arg10[%dma_wait3A_104] : memref<4x!tpu.dma_semaphore, #tpu.memory_space<semaphore_mem>> -> memref<1x!tpu.dma_semaphore, #tpu.memory_space<semaphore_mem>>
        %dma_wait3A_112 = tpu.memref_squeeze %dma_wait3A_111 : memref<1x!tpu.dma_semaphore, #tpu.memory_space<semaphore_mem>> -> memref<!tpu.dma_semaphore, #tpu.memory_space<semaphore_mem>>
        tpu.wait_indirect_dma semaphore(%dma_wait3A_112 : memref<!tpu.dma_semaphore, #tpu.memory_space<semaphore_mem>>) src(%dma_wait3A_110 : memref<50000x128xf32, #tpu.memory_space<hbm>>) dst(%arg8 : memref<128x128xf32, #tpu.memory_space<vmem>>)
        %add3A_113 = arith.constant 2 : i32
        %add3A_114 = arith.addi %add3A_56, %add3A_113 : i32
        %add3A_115 = arith.addi %add3A_8, %add3A_114 : i32
        %mul3A_116 = arith.constant 128 : i32
        %mul3A_117 = arith.muli %add3A_115, %mul3A_116 : i32
        %dma_start3A_118 = arith.constant 2 : i32
        %dma_start3A_119 = arith.constant 0 : i32
        %dma_start3A_120 = tpu.memref_slice %arg4[%mul3A_117, %dma_start3A_119] : memref<524288x128xf32, #tpu.memory_space<hbm>> -> memref<128x128xf32, #tpu.memory_space<hbm>>
        %dma_start3A_121 = tpu.memref_slice %arg11[%dma_start3A_118] : memref<4x!tpu.dma_semaphore, #tpu.memory_space<semaphore_mem>> -> memref<1x!tpu.dma_semaphore, #tpu.memory_space<semaphore_mem>>
        %dma_start3A_122 = tpu.memref_squeeze %dma_start3A_121 : memref<1x!tpu.dma_semaphore, #tpu.memory_space<semaphore_mem>> -> memref<!tpu.dma_semaphore, #tpu.memory_space<semaphore_mem>>
        %dma_start3A_123 = arith.constant 0 : i32
        %dma_start3A_124 = tpu.memref_slice %arg4[%mul3A_117, %dma_start3A_123] : memref<524288x128xf32, #tpu.memory_space<hbm>> -> memref<128x128xf32, #tpu.memory_space<hbm>>
        tpu.enqueue_dma source(%arg8 : memref<128x128xf32, #tpu.memory_space<vmem>>) target(%dma_start3A_124 : memref<128x128xf32, #tpu.memory_space<hbm>>) target_semaphore(%dma_start3A_122 : memref<!tpu.dma_semaphore, #tpu.memory_space<semaphore_mem>>)
        %add3A_125 = arith.constant 3 : i32
        %add3A_126 = arith.addi %add3A_56, %add3A_125 : i32
        %dma_wait3A_127 = arith.constant 3 : i32
        %dma_wait3A_128 = arith.constant 0 : i32
        %dma_wait3A_129 = tpu.memref_slice %arg5[%add3A_126, %dma_wait3A_128] : memref<160x128xi32, #tpu.memory_space<vmem>> -> memref<1x128xi32, #tpu.memory_space<vmem>>
        %dma_wait3A_130 = tpu.memref_squeeze %dma_wait3A_129 : memref<1x128xi32, #tpu.memory_space<vmem>> -> memref<128xi32, #tpu.memory_space<vmem>>
        %dma_wait3A_131 = arith.constant 0 : i32
        %dma_wait3A_132 = arith.constant 0 : i32
        %dma_wait3A_133 = tpu.memref_slice %arg3[%dma_wait3A_131, %dma_wait3A_132] : memref<50000x128xf32, #tpu.memory_space<hbm>> -> memref<50000x128xf32, #tpu.memory_space<hbm>>
        %dma_wait3A_134 = tpu.memref_slice %arg10[%dma_wait3A_127] : memref<4x!tpu.dma_semaphore, #tpu.memory_space<semaphore_mem>> -> memref<1x!tpu.dma_semaphore, #tpu.memory_space<semaphore_mem>>
        %dma_wait3A_135 = tpu.memref_squeeze %dma_wait3A_134 : memref<1x!tpu.dma_semaphore, #tpu.memory_space<semaphore_mem>> -> memref<!tpu.dma_semaphore, #tpu.memory_space<semaphore_mem>>
        tpu.wait_indirect_dma semaphore(%dma_wait3A_135 : memref<!tpu.dma_semaphore, #tpu.memory_space<semaphore_mem>>) src(%dma_wait3A_133 : memref<50000x128xf32, #tpu.memory_space<hbm>>) dst(%arg9 : memref<128x128xf32, #tpu.memory_space<vmem>>)
        %add3A_136 = arith.constant 3 : i32
        %add3A_137 = arith.addi %add3A_56, %add3A_136 : i32
        %add3A_138 = arith.addi %add3A_8, %add3A_137 : i32
        %mul3A_139 = arith.constant 128 : i32
        %mul3A_140 = arith.muli %add3A_138, %mul3A_139 : i32
        %dma_start3A_141 = arith.constant 3 : i32
        %dma_start3A_142 = arith.constant 0 : i32
        %dma_start3A_143 = tpu.memref_slice %arg4[%mul3A_140, %dma_start3A_142] : memref<524288x128xf32, #tpu.memory_space<hbm>> -> memref<128x128xf32, #tpu.memory_space<hbm>>
        %dma_start3A_144 = tpu.memref_slice %arg11[%dma_start3A_141] : memref<4x!tpu.dma_semaphore, #tpu.memory_space<semaphore_mem>> -> memref<1x!tpu.dma_semaphore, #tpu.memory_space<semaphore_mem>>
        %dma_start3A_145 = tpu.memref_squeeze %dma_start3A_144 : memref<1x!tpu.dma_semaphore, #tpu.memory_space<semaphore_mem>> -> memref<!tpu.dma_semaphore, #tpu.memory_space<semaphore_mem>>
        %dma_start3A_146 = arith.constant 0 : i32
        %dma_start3A_147 = tpu.memref_slice %arg4[%mul3A_140, %dma_start3A_146] : memref<524288x128xf32, #tpu.memory_space<hbm>> -> memref<128x128xf32, #tpu.memory_space<hbm>>
        tpu.enqueue_dma source(%arg9 : memref<128x128xf32, #tpu.memory_space<vmem>>) target(%dma_start3A_147 : memref<128x128xf32, #tpu.memory_space<hbm>>) target_semaphore(%dma_start3A_145 : memref<!tpu.dma_semaphore, #tpu.memory_space<semaphore_mem>>)
        %add3A_148 = arith.constant 0 : i32
        %add3A_149 = arith.addi %add3A_56, %add3A_148 : i32
        %add3A_150 = arith.addi %add3A_8, %add3A_149 : i32
        %mul3A_151 = arith.constant 128 : i32
        %mul3A_152 = arith.muli %add3A_150, %mul3A_151 : i32
        %dma_wait3A_153 = arith.constant 0 : i32
        %dma_wait3A_154 = arith.constant 0 : i32
        %dma_wait3A_155 = tpu.memref_slice %arg4[%mul3A_152, %dma_wait3A_154] : memref<524288x128xf32, #tpu.memory_space<hbm>> -> memref<128x128xf32, #tpu.memory_space<hbm>>
        %dma_wait3A_156 = tpu.memref_slice %arg11[%dma_wait3A_153] : memref<4x!tpu.dma_semaphore, #tpu.memory_space<semaphore_mem>> -> memref<1x!tpu.dma_semaphore, #tpu.memory_space<semaphore_mem>>
        %dma_wait3A_157 = tpu.memref_squeeze %dma_wait3A_156 : memref<1x!tpu.dma_semaphore, #tpu.memory_space<semaphore_mem>> -> memref<!tpu.dma_semaphore, #tpu.memory_space<semaphore_mem>>
        %dma_wait3A_158 = arith.constant 0 : i32
        %dma_wait3A_159 = tpu.memref_slice %arg4[%mul3A_152, %dma_wait3A_158] : memref<524288x128xf32, #tpu.memory_space<hbm>> -> memref<128x128xf32, #tpu.memory_space<hbm>>
        tpu.wait_dma2 semaphore(%dma_wait3A_157 : memref<!tpu.dma_semaphore, #tpu.memory_space<semaphore_mem>>) src(%arg6 : memref<128x128xf32, #tpu.memory_space<vmem>>) dst(%dma_wait3A_159 : memref<128x128xf32, #tpu.memory_space<hbm>>)
        %add3A_160 = arith.constant 4 : i32
        %add3A_161 = arith.addi %add3A_56, %add3A_160 : i32
        %lt3A = arith.constant 160 : i32
        %lt3A_162 = arith.cmpi slt, %add3A_161, %lt3A : i32
        %convert_element_type3A_163 = arith.extui %lt3A_162 : i1 to i32
        %cond3A_164 = arith.constant 0 : i32
        %cond3A_165 = arith.cmpi ne, %convert_element_type3A_163, %cond3A_164 : i32
        scf.if %cond3A_165 {
          %add3A_223 = arith.constant 4 : i32
          %add3A_224 = arith.addi %add3A_56, %add3A_223 : i32
          %add3A_225 = arith.constant 0 : i32
          %add3A_226 = arith.addi %add3A_224, %add3A_225 : i32
          %dma_start3A_227 = arith.constant 0 : i32
          %dma_start3A_228 = arith.constant 0 : i32
          %dma_start3A_229 = tpu.memref_slice %arg5[%add3A_226, %dma_start3A_228] : memref<160x128xi32, #tpu.memory_space<vmem>> -> memref<1x128xi32, #tpu.memory_space<vmem>>
          %dma_start3A_230 = tpu.memref_squeeze %dma_start3A_229 : memref<1x128xi32, #tpu.memory_space<vmem>> -> memref<128xi32, #tpu.memory_space<vmem>>
          %dma_start3A_231 = arith.constant 0 : i32
          %dma_start3A_232 = arith.constant 0 : i32
          %dma_start3A_233 = tpu.memref_slice %arg3[%dma_start3A_231, %dma_start3A_232] : memref<50000x128xf32, #tpu.memory_space<hbm>> -> memref<50000x128xf32, #tpu.memory_space<hbm>>
          %dma_start3A_234 = tpu.memref_slice %arg10[%dma_start3A_227] : memref<4x!tpu.dma_semaphore, #tpu.memory_space<semaphore_mem>> -> memref<1x!tpu.dma_semaphore, #tpu.memory_space<semaphore_mem>>
          %dma_start3A_235 = tpu.memref_squeeze %dma_start3A_234 : memref<1x!tpu.dma_semaphore, #tpu.memory_space<semaphore_mem>> -> memref<!tpu.dma_semaphore, #tpu.memory_space<semaphore_mem>>
          tpu.enqueue_indirect_dma source(%dma_start3A_233 : memref<50000x128xf32, #tpu.memory_space<hbm>>) target(%arg6 : memref<128x128xf32, #tpu.memory_space<vmem>>) offsets(%dma_start3A_230 : memref<128xi32, #tpu.memory_space<vmem>>) semaphore(%dma_start3A_235 : memref<!tpu.dma_semaphore, #tpu.memory_space<semaphore_mem>>)
        } else {
        }
        %add3A_166 = arith.constant 1 : i32
        %add3A_167 = arith.addi %add3A_56, %add3A_166 : i32
        %add3A_168 = arith.addi %add3A_8, %add3A_167 : i32
        %mul3A_169 = arith.constant 128 : i32
        %mul3A_170 = arith.muli %add3A_168, %mul3A_169 : i32
        %dma_wait3A_171 = arith.constant 1 : i32
        %dma_wait3A_172 = arith.constant 0 : i32
        %dma_wait3A_173 = tpu.memref_slice %arg4[%mul3A_170, %dma_wait3A_172] : memref<524288x128xf32, #tpu.memory_space<hbm>> -> memref<128x128xf32, #tpu.memory_space<hbm>>
        %dma_wait3A_174 = tpu.memref_slice %arg11[%dma_wait3A_171] : memref<4x!tpu.dma_semaphore, #tpu.memory_space<semaphore_mem>> -> memref<1x!tpu.dma_semaphore, #tpu.memory_space<semaphore_mem>>
        %dma_wait3A_175 = tpu.memref_squeeze %dma_wait3A_174 : memref<1x!tpu.dma_semaphore, #tpu.memory_space<semaphore_mem>> -> memref<!tpu.dma_semaphore, #tpu.memory_space<semaphore_mem>>
        %dma_wait3A_176 = arith.constant 0 : i32
        %dma_wait3A_177 = tpu.memref_slice %arg4[%mul3A_170, %dma_wait3A_176] : memref<524288x128xf32, #tpu.memory_space<hbm>> -> memref<128x128xf32, #tpu.memory_space<hbm>>
        tpu.wait_dma2 semaphore(%dma_wait3A_175 : memref<!tpu.dma_semaphore, #tpu.memory_space<semaphore_mem>>) src(%arg7 : memref<128x128xf32, #tpu.memory_space<vmem>>) dst(%dma_wait3A_177 : memref<128x128xf32, #tpu.memory_space<hbm>>)
        %add3A_178 = arith.constant 4 : i32
        %add3A_179 = arith.addi %add3A_56, %add3A_178 : i32
        %lt3A_180 = arith.constant 160 : i32
        %lt3A_181 = arith.cmpi slt, %add3A_179, %lt3A_180 : i32
        %convert_element_type3A_182 = arith.extui %lt3A_181 : i1 to i32
        %cond3A_183 = arith.constant 0 : i32
        %cond3A_184 = arith.cmpi ne, %convert_element_type3A_182, %cond3A_183 : i32
        scf.if %cond3A_184 {
          %add3A_223 = arith.constant 4 : i32
          %add3A_224 = arith.addi %add3A_56, %add3A_223 : i32
          %add3A_225 = arith.constant 1 : i32
          %add3A_226 = arith.addi %add3A_224, %add3A_225 : i32
          %dma_start3A_227 = arith.constant 1 : i32
          %dma_start3A_228 = arith.constant 0 : i32
          %dma_start3A_229 = tpu.memref_slice %arg5[%add3A_226, %dma_start3A_228] : memref<160x128xi32, #tpu.memory_space<vmem>> -> memref<1x128xi32, #tpu.memory_space<vmem>>
          %dma_start3A_230 = tpu.memref_squeeze %dma_start3A_229 : memref<1x128xi32, #tpu.memory_space<vmem>> -> memref<128xi32, #tpu.memory_space<vmem>>
          %dma_start3A_231 = arith.constant 0 : i32
          %dma_start3A_232 = arith.constant 0 : i32
          %dma_start3A_233 = tpu.memref_slice %arg3[%dma_start3A_231, %dma_start3A_232] : memref<50000x128xf32, #tpu.memory_space<hbm>> -> memref<50000x128xf32, #tpu.memory_space<hbm>>
          %dma_start3A_234 = tpu.memref_slice %arg10[%dma_start3A_227] : memref<4x!tpu.dma_semaphore, #tpu.memory_space<semaphore_mem>> -> memref<1x!tpu.dma_semaphore, #tpu.memory_space<semaphore_mem>>
          %dma_start3A_235 = tpu.memref_squeeze %dma_start3A_234 : memref<1x!tpu.dma_semaphore, #tpu.memory_space<semaphore_mem>> -> memref<!tpu.dma_semaphore, #tpu.memory_space<semaphore_mem>>
          tpu.enqueue_indirect_dma source(%dma_start3A_233 : memref<50000x128xf32, #tpu.memory_space<hbm>>) target(%arg7 : memref<128x128xf32, #tpu.memory_space<vmem>>) offsets(%dma_start3A_230 : memref<128xi32, #tpu.memory_space<vmem>>) semaphore(%dma_start3A_235 : memref<!tpu.dma_semaphore, #tpu.memory_space<semaphore_mem>>)
        } else {
        }
        %add3A_185 = arith.constant 2 : i32
        %add3A_186 = arith.addi %add3A_56, %add3A_185 : i32
        %add3A_187 = arith.addi %add3A_8, %add3A_186 : i32
        %mul3A_188 = arith.constant 128 : i32
        %mul3A_189 = arith.muli %add3A_187, %mul3A_188 : i32
        %dma_wait3A_190 = arith.constant 2 : i32
        %dma_wait3A_191 = arith.constant 0 : i32
        %dma_wait3A_192 = tpu.memref_slice %arg4[%mul3A_189, %dma_wait3A_191] : memref<524288x128xf32, #tpu.memory_space<hbm>> -> memref<128x128xf32, #tpu.memory_space<hbm>>
        %dma_wait3A_193 = tpu.memref_slice %arg11[%dma_wait3A_190] : memref<4x!tpu.dma_semaphore, #tpu.memory_space<semaphore_mem>> -> memref<1x!tpu.dma_semaphore, #tpu.memory_space<semaphore_mem>>
        %dma_wait3A_194 = tpu.memref_squeeze %dma_wait3A_193 : memref<1x!tpu.dma_semaphore, #tpu.memory_space<semaphore_mem>> -> memref<!tpu.dma_semaphore, #tpu.memory_space<semaphore_mem>>
        %dma_wait3A_195 = arith.constant 0 : i32
        %dma_wait3A_196 = tpu.memref_slice %arg4[%mul3A_189, %dma_wait3A_195] : memref<524288x128xf32, #tpu.memory_space<hbm>> -> memref<128x128xf32, #tpu.memory_space<hbm>>
        tpu.wait_dma2 semaphore(%dma_wait3A_194 : memref<!tpu.dma_semaphore, #tpu.memory_space<semaphore_mem>>) src(%arg8 : memref<128x128xf32, #tpu.memory_space<vmem>>) dst(%dma_wait3A_196 : memref<128x128xf32, #tpu.memory_space<hbm>>)
        %add3A_197 = arith.constant 4 : i32
        %add3A_198 = arith.addi %add3A_56, %add3A_197 : i32
        %lt3A_199 = arith.constant 160 : i32
        %lt3A_200 = arith.cmpi slt, %add3A_198, %lt3A_199 : i32
        %convert_element_type3A_201 = arith.extui %lt3A_200 : i1 to i32
        %cond3A_202 = arith.constant 0 : i32
        %cond3A_203 = arith.cmpi ne, %convert_element_type3A_201, %cond3A_202 : i32
        scf.if %cond3A_203 {
          %add3A_223 = arith.constant 4 : i32
          %add3A_224 = arith.addi %add3A_56, %add3A_223 : i32
          %add3A_225 = arith.constant 2 : i32
          %add3A_226 = arith.addi %add3A_224, %add3A_225 : i32
          %dma_start3A_227 = arith.constant 2 : i32
          %dma_start3A_228 = arith.constant 0 : i32
          %dma_start3A_229 = tpu.memref_slice %arg5[%add3A_226, %dma_start3A_228] : memref<160x128xi32, #tpu.memory_space<vmem>> -> memref<1x128xi32, #tpu.memory_space<vmem>>
          %dma_start3A_230 = tpu.memref_squeeze %dma_start3A_229 : memref<1x128xi32, #tpu.memory_space<vmem>> -> memref<128xi32, #tpu.memory_space<vmem>>
          %dma_start3A_231 = arith.constant 0 : i32
          %dma_start3A_232 = arith.constant 0 : i32
          %dma_start3A_233 = tpu.memref_slice %arg3[%dma_start3A_231, %dma_start3A_232] : memref<50000x128xf32, #tpu.memory_space<hbm>> -> memref<50000x128xf32, #tpu.memory_space<hbm>>
          %dma_start3A_234 = tpu.memref_slice %arg10[%dma_start3A_227] : memref<4x!tpu.dma_semaphore, #tpu.memory_space<semaphore_mem>> -> memref<1x!tpu.dma_semaphore, #tpu.memory_space<semaphore_mem>>
          %dma_start3A_235 = tpu.memref_squeeze %dma_start3A_234 : memref<1x!tpu.dma_semaphore, #tpu.memory_space<semaphore_mem>> -> memref<!tpu.dma_semaphore, #tpu.memory_space<semaphore_mem>>
          tpu.enqueue_indirect_dma source(%dma_start3A_233 : memref<50000x128xf32, #tpu.memory_space<hbm>>) target(%arg8 : memref<128x128xf32, #tpu.memory_space<vmem>>) offsets(%dma_start3A_230 : memref<128xi32, #tpu.memory_space<vmem>>) semaphore(%dma_start3A_235 : memref<!tpu.dma_semaphore, #tpu.memory_space<semaphore_mem>>)
        } else {
        }
        %add3A_204 = arith.constant 3 : i32
        %add3A_205 = arith.addi %add3A_56, %add3A_204 : i32
        %add3A_206 = arith.addi %add3A_8, %add3A_205 : i32
        %mul3A_207 = arith.constant 128 : i32
        %mul3A_208 = arith.muli %add3A_206, %mul3A_207 : i32
        %dma_wait3A_209 = arith.constant 3 : i32
        %dma_wait3A_210 = arith.constant 0 : i32
        %dma_wait3A_211 = tpu.memref_slice %arg4[%mul3A_208, %dma_wait3A_210] : memref<524288x128xf32, #tpu.memory_space<hbm>> -> memref<128x128xf32, #tpu.memory_space<hbm>>
        %dma_wait3A_212 = tpu.memref_slice %arg11[%dma_wait3A_209] : memref<4x!tpu.dma_semaphore, #tpu.memory_space<semaphore_mem>> -> memref<1x!tpu.dma_semaphore, #tpu.memory_space<semaphore_mem>>
        %dma_wait3A_213 = tpu.memref_squeeze %dma_wait3A_212 : memref<1x!tpu.dma_semaphore, #tpu.memory_space<semaphore_mem>> -> memref<!tpu.dma_semaphore, #tpu.memory_space<semaphore_mem>>
        %dma_wait3A_214 = arith.constant 0 : i32
        %dma_wait3A_215 = tpu.memref_slice %arg4[%mul3A_208, %dma_wait3A_214] : memref<524288x128xf32, #tpu.memory_space<hbm>> -> memref<128x128xf32, #tpu.memory_space<hbm>>
        tpu.wait_dma2 semaphore(%dma_wait3A_213 : memref<!tpu.dma_semaphore, #tpu.memory_space<semaphore_mem>>) src(%arg9 : memref<128x128xf32, #tpu.memory_space<vmem>>) dst(%dma_wait3A_215 : memref<128x128xf32, #tpu.memory_space<hbm>>)
        %add3A_216 = arith.constant 4 : i32
        %add3A_217 = arith.addi %add3A_56, %add3A_216 : i32
        %lt3A_218 = arith.constant 160 : i32
        %lt3A_219 = arith.cmpi slt, %add3A_217, %lt3A_218 : i32
        %convert_element_type3A_220 = arith.extui %lt3A_219 : i1 to i32
        %cond3A_221 = arith.constant 0 : i32
        %cond3A_222 = arith.cmpi ne, %convert_element_type3A_220, %cond3A_221 : i32
        scf.if %cond3A_222 {
          %add3A_223 = arith.constant 4 : i32
          %add3A_224 = arith.addi %add3A_56, %add3A_223 : i32
          %add3A_225 = arith.constant 3 : i32
          %add3A_226 = arith.addi %add3A_224, %add3A_225 : i32
          %dma_start3A_227 = arith.constant 3 : i32
          %dma_start3A_228 = arith.constant 0 : i32
          %dma_start3A_229 = tpu.memref_slice %arg5[%add3A_226, %dma_start3A_228] : memref<160x128xi32, #tpu.memory_space<vmem>> -> memref<1x128xi32, #tpu.memory_space<vmem>>
          %dma_start3A_230 = tpu.memref_squeeze %dma_start3A_229 : memref<1x128xi32, #tpu.memory_space<vmem>> -> memref<128xi32, #tpu.memory_space<vmem>>
          %dma_start3A_231 = arith.constant 0 : i32
          %dma_start3A_232 = arith.constant 0 : i32
          %dma_start3A_233 = tpu.memref_slice %arg3[%dma_start3A_231, %dma_start3A_232] : memref<50000x128xf32, #tpu.memory_space<hbm>> -> memref<50000x128xf32, #tpu.memory_space<hbm>>
          %dma_start3A_234 = tpu.memref_slice %arg10[%dma_start3A_227] : memref<4x!tpu.dma_semaphore, #tpu.memory_space<semaphore_mem>> -> memref<1x!tpu.dma_semaphore, #tpu.memory_space<semaphore_mem>>
          %dma_start3A_235 = tpu.memref_squeeze %dma_start3A_234 : memref<1x!tpu.dma_semaphore, #tpu.memory_space<semaphore_mem>> -> memref<!tpu.dma_semaphore, #tpu.memory_space<semaphore_mem>>
          tpu.enqueue_indirect_dma source(%dma_start3A_233 : memref<50000x128xf32, #tpu.memory_space<hbm>>) target(%arg9 : memref<128x128xf32, #tpu.memory_space<vmem>>) offsets(%dma_start3A_230 : memref<128xi32, #tpu.memory_space<vmem>>) semaphore(%dma_start3A_235 : memref<!tpu.dma_semaphore, #tpu.memory_space<semaphore_mem>>)
        } else {
        }
      }
      %scan3A_51 = arith.constant 40 : i32
    } else {
    }
    return
  }
}

module attributes {stable_mosaic.version = 14 : i64} {
  func.func @_mlp_body(%arg0: i32, %arg1: memref<2048x4xbf16, #tpu.memory_space<vmem>>, %arg2: memref<4x512xbf16, #tpu.memory_space<vmem>>, %arg3: memref<1x512xf32, #tpu.memory_space<vmem>>, %arg4: memref<512x1xbf16, #tpu.memory_space<vmem>>, %arg5: memref<1x1xf32, #tpu.memory_space<smem>>, %arg6: memref<2048x1xf32, #tpu.memory_space<vmem>>) attributes {dimension_semantics = [#tpu.dimension_semantics<arbitrary>], iteration_bounds = array<i64: 256>, scalar_prefetch = 0 : i64, scratch_operands = 0 : i64, tpu.core_type = #tpu.core_type<tc>, window_params = [{transform_indices = @transform_0, window_bounds = array<i64: 2048, 4>}, {pipeline_mode = #tpu.pipeline_mode<synchronous>, transform_indices = @transform_1, window_bounds = array<i64: 4, 512>}, {pipeline_mode = #tpu.pipeline_mode<synchronous>, transform_indices = @transform_2, window_bounds = array<i64: 1, 512>}, {pipeline_mode = #tpu.pipeline_mode<synchronous>, transform_indices = @transform_3, window_bounds = array<i64: 512, 1>}, {transform_indices = @transform_4, window_bounds = array<i64: 1, 1>}, {transform_indices = @transform_5, window_bounds = array<i64: 2048, 1>}]} {
    %get3A = arith.constant 0 : index
    %get3A_0 = arith.constant 0 : index
    %get3A_1 = vector.load %arg1[%get3A, %get3A_0] : memref<2048x4xbf16, #tpu.memory_space<vmem>>, vector<2048x4xbf16>
    %get3A_2 = arith.constant 0 : index
    %get3A_3 = arith.constant 0 : index
    %get3A_4 = vector.load %arg2[%get3A_2, %get3A_3] : memref<4x512xbf16, #tpu.memory_space<vmem>>, vector<4x512xbf16>
    %dot_general3A = arith.constant dense<0.000000e+00> : vector<2048x512xf32>
    %dot_general3A_5 = tpu.matmul %get3A_1, %get3A_4, %dot_general3A {dimension_numbers = #tpu.dot_dimension_numbers<[1], [0], [0], [1], [0, 0, 1, 1], [], []>, transpose_lhs_hint = false} : vector<2048x4xbf16>, vector<4x512xbf16>, vector<2048x512xf32> -> vector<2048x512xf32>
    %get3A_6 = arith.constant 0 : index
    %get3A_7 = arith.constant 0 : index
    %get3A_8 = vector.load %arg3[%get3A_6, %get3A_7] : memref<1x512xf32, #tpu.memory_space<vmem>>, vector<1x512xf32>
    %add3A = vector.broadcast %get3A_8 : vector<1x512xf32> to vector<2048x512xf32>
    %add3A_9 = arith.addf %dot_general3A_5, %add3A : vector<2048x512xf32>
    %tanh3A = math.tanh %add3A_9 : vector<2048x512xf32>
    %convert_element_type3A = arith.truncf %tanh3A : vector<2048x512xf32> to vector<2048x512xbf16>
    %get3A_10 = arith.constant 0 : index
    %get3A_11 = arith.constant 0 : index
    %get3A_12 = vector.load %arg4[%get3A_10, %get3A_11] : memref<512x1xbf16, #tpu.memory_space<vmem>>, vector<512x1xbf16>
    %dot_general3A_13 = arith.constant dense<0.000000e+00> : vector<2048x1xf32>
    %dot_general3A_14 = tpu.matmul %convert_element_type3A, %get3A_12, %dot_general3A_13 {dimension_numbers = #tpu.dot_dimension_numbers<[1], [0], [0], [1], [0, 0, 1, 1], [], []>, transpose_lhs_hint = false} : vector<2048x512xbf16>, vector<512x1xbf16>, vector<2048x1xf32> -> vector<2048x1xf32>
    %mul3A = arith.constant 2.500000e-01 : f32
    %mul3A_15 = vector.broadcast %mul3A : f32 to vector<2048x1xf32>
    %mul3A_16 = arith.mulf %mul3A_15, %dot_general3A_14 : vector<2048x1xf32>
    %get3A_17 = arith.constant 0 : index
    %get3A_18 = arith.constant 0 : index
    %get3A_19 = memref.load %arg5[%get3A_17, %get3A_18] : memref<1x1xf32, #tpu.memory_space<smem>>
    %mul3A_20 = arith.constant 5.000000e-01 : f32
    %mul3A_21 = arith.mulf %mul3A_20, %get3A_19 : f32
    %add3A_22 = vector.broadcast %mul3A_21 : f32 to vector<2048x1xf32>
    %add3A_23 = arith.addf %mul3A_16, %add3A_22 : vector<2048x1xf32>
    %tanh3A_24 = math.tanh %add3A_23 : vector<2048x1xf32>
    %mul3A_25 = arith.constant 5.000000e-02 : f32
    %mul3A_26 = vector.broadcast %mul3A_25 : f32 to vector<2048x1xf32>
    %mul3A_27 = arith.mulf %mul3A_26, %tanh3A_24 : vector<2048x1xf32>
    %add3A_28 = arith.constant 5.000000e-02 : f32
    %add3A_29 = vector.broadcast %add3A_28 : f32 to vector<2048x1xf32>
    %add3A_30 = arith.addf %mul3A_27, %add3A_29 : vector<2048x1xf32>
    %swap3A = arith.constant 0 : index
    %swap3A_31 = arith.constant 0 : index
    %swap3A_32 = vector.load %arg6[%swap3A, %swap3A_31] : memref<2048x1xf32, #tpu.memory_space<vmem>>, vector<2048x1xf32>
    tpu.vector_store %arg6[%swap3A, %swap3A_31], %add3A_30 {strides = array<i32>} : memref<2048x1xf32, #tpu.memory_space<vmem>>, vector<2048x1xf32>,
    return
  }
  func.func @transform_0(%arg0: i32) -> (i32, i32) {
    %c0_i32 = arith.constant 0 : i32
    %c0_i32_0 = arith.constant 0 : i32
    return %arg0, %c0_i32 : i32, i32
  }
  func.func @transform_1(%arg0: i32) -> (i32, i32) {
    %c0_i32 = arith.constant 0 : i32
    %c0_i32_0 = arith.constant 0 : i32
    %c0_i32_1 = arith.constant 0 : i32
    return %c0_i32, %c0_i32_0 : i32, i32
  }
  func.func @transform_2(%arg0: i32) -> (i32, i32) {
    %c0_i32 = arith.constant 0 : i32
    %c0_i32_0 = arith.constant 0 : i32
    %c0_i32_1 = arith.constant 0 : i32
    return %c0_i32, %c0_i32_0 : i32, i32
  }
  func.func @transform_3(%arg0: i32) -> (i32, i32) {
    %c0_i32 = arith.constant 0 : i32
    %c0_i32_0 = arith.constant 0 : i32
    %c0_i32_1 = arith.constant 0 : i32
    return %c0_i32, %c0_i32_0 : i32, i32
  }
  func.func @transform_4(%arg0: i32) -> (i32, i32) {
    %c0_i32 = arith.constant 0 : i32
    %c0_i32_0 = arith.constant 0 : i32
    %c0_i32_1 = arith.constant 0 : i32
    return %c0_i32, %c0_i32_0 : i32, i32
  }
  func.func @transform_5(%arg0: i32) -> (i32, i32) {
    %c0_i32 = arith.constant 0 : i32
    %c0_i32_0 = arith.constant 0 : i32
    return %arg0, %c0_i32 : i32, i32
  }
}

module attributes {stable_mosaic.version = 14 : i64} {
  func.func @_reduce_body(%arg0: i32, %arg1: memref<4000x1xf32, #tpu.memory_space<vmem>>, %arg2: memref<4000x128xf32, #tpu.memory_space<vmem>>, %arg3: memref<400x128xf32, #tpu.memory_space<vmem>>) attributes {dimension_semantics = [#tpu.dimension_semantics<arbitrary>], iteration_bounds = array<i64: 125>, scalar_prefetch = 0 : i64, scratch_operands = 0 : i64, tpu.core_type = #tpu.core_type<tc>, window_params = [{transform_indices = @transform_0, window_bounds = array<i64: 4000, 1>}, {transform_indices = @transform_1, window_bounds = array<i64: 4000, 128>}, {transform_indices = @transform_2, window_bounds = array<i64: 400, 128>}]} {
    %get3A = arith.constant 0 : index
    %get3A_0 = arith.constant 0 : index
    %get3A_1 = vector.load %arg2[%get3A, %get3A_0] : memref<4000x128xf32, #tpu.memory_space<vmem>>, vector<4000x128xf32>
    %get3A_2 = arith.constant 0 : index
    %get3A_3 = arith.constant 0 : index
    %get3A_4 = vector.load %arg1[%get3A_2, %get3A_3] : memref<4000x1xf32, #tpu.memory_space<vmem>>, vector<4000x1xf32>
    %mul3A = vector.broadcast %get3A_4 : vector<4000x1xf32> to vector<4000x128xf32>
    %mul3A_5 = arith.mulf %get3A_1, %mul3A : vector<4000x128xf32>
    %reshape3A = vector.shape_cast %mul3A_5 : vector<4000x128xf32> to vector<400x10x128xf32>
    %reduce_sum3A = arith.constant dense<0.000000e+00> : vector<400x128xf32>
    %reduce_sum3A_6 = vector.multi_reduction <add>, %reshape3A, %reduce_sum3A [1] : vector<400x10x128xf32> to vector<400x128xf32>
    %swap3A = arith.constant 0 : index
    %swap3A_7 = arith.constant 0 : index
    %swap3A_8 = vector.load %arg3[%swap3A, %swap3A_7] : memref<400x128xf32, #tpu.memory_space<vmem>>, vector<400x128xf32>
    tpu.vector_store %arg3[%swap3A, %swap3A_7], %reduce_sum3A_6 {strides = array<i32>} : memref<400x128xf32, #tpu.memory_space<vmem>>, vector<400x128xf32>,
    return
  }
  func.func @transform_0(%arg0: i32) -> (i32, i32) {
    %c0_i32 = arith.constant 0 : i32
    %c0_i32_0 = arith.constant 0 : i32
    return %arg0, %c0_i32 : i32, i32
  }
  func.func @transform_1(%arg0: i32) -> (i32, i32) {
    %c0_i32 = arith.constant 0 : i32
    %c0_i32_0 = arith.constant 0 : i32
    return %arg0, %c0_i32 : i32, i32
  }
  func.func @transform_2(%arg0: i32) -> (i32, i32) {
    %c0_i32 = arith.constant 0 : i32
    %c0_i32_0 = arith.constant 0 : i32
    return %arg0, %c0_i32 : i32, i32
  }
}

</mosaic_0001>

<sc_bundles>
// kernel: kernel.6.cloned.1.call-start
scs
__scs_entry_jumppad:
0x0: {  	(pc) =	sbr.rel $0x88, $3  }
0x1: {  	(tag) =	ssettag $0x0;
	lr =	simm.s32 $0x1  }
0x2: {  	[smem:$0x3F95] =	sst lr;
	_ =	strace $0xD0000000  }
0x3: {  	_ = 	snop  }
0x4: {  	_ = 	snop  }
0x5: {  	_ = 	snop  }
0x6: {  	_ = 	snop  }
0x7: {  	_ = 	snop  }
__scs_overlays_trampoline_lowered:
0x8: {  	[smem:$0x3FA4] =	sst s0  }
0x9: {  	[smem:$0x3FA5] =	sst s1  }
0xa: {  	[smem:$0x3FA6] =	sst s2  }
0xb: {  	[smem:$0x3FA7] =	sst s3  }
0xc: {  	[smem:$0x3FA8] =	sst s4  }
0xd: {  	[smem:$0x3FA9] =	sst s5  }
0xe: {  	[smem:$0x3FAA] =	sst s6  }
0xf: {  	[smem:$0x3FAB] =	sst s7  }
0x10: {  	[smem:$0x3FAC] =	sst s8  }
0x11: {  	[smem:$0x3FAD] =	sst s9;
	s0 =	simm.s32 @!p0 $0x0  }
0x12: {  	s1 =	sld [smem:$0x3F93];
	s0 =	simm.s32 @p0 $0x1  }
0x13: {  	[smem:$0x3FAE] =	sst s0;
	s0 =	simm.s32 @!p1 $0x0  }
0x14: {  	s2 =	sld [smem:$0x3F92];
	s0 =	simm.s32 @p1 $0x1  }
0x15: {  	[smem:$0x3FAF] =	sst s0;
	s0 =	simm.s32 @!p2 $0x0  }
0x16: {  	s3 =	sld [smem:$0x3FDB];
	s0 =	simm.s32 @p2 $0x1  }
0x17: {  	s4 =	simm.s32 $0x1BF5;
	[smem:$0x3FB1] =	sst s0  }
0x18: {  	s0 =	sld [smem:$0x3F94];
	_ =	swait.ge [sflag:s4], $0x0  }
0x19: {  	s7 =	sld [smem:$0x3F95]  }
0x1a: {  	s8 =	sadd.s32 $0xFFFFE003, lr  }
0x1b: {  	s9 =	sadd.s32 $0xFFFFFEF7, lr;
	s5 =	simm.s32 $0xFFFFFFFF;
	p2 =	slt.u32 s8, $0xFFFFF086  }
0x1c: {  	p1 =	slt.u32 s9, $0xF7A;
	s5 =	simm.s32 @!p2 $0x0  }
0x1d: {  	s5 =	simm.s32 @p1 $0x1;
	p0 =	seq.s32 s7, s2  }
0x1e: {  	s7 =	smul.u32 @!p0 $0xF7A, s2;
	p2 =	seq.s32 @!p0 s5, $0x0  }
0x1f: {  	s9 =	smul.u32 $0xF7A, s1;
	s8 =	simm.s32 @!p0 $0x1BF5;
	p2 =	por !p2, p0  }
0x20: {  	[sflag:s8] =	ssyncset.s32 @!p0 $0xFFFFF086;
	s6 =	sadd.s32 @!p0 s3, s7;
	s7 =	simm.s32 @!p0 $0x108  }
0x21: {  	s3 =	sadd.s32 s3, s9;
	s6 =	sadd.s32 @!p0 $0x88, s6;
	s7 =	simm.s32 @p2 $0x1082  }
0x22: {  	[simem:s7], [sflag:s8] =	dma.local @!p0 [hbm:s6], $0xF7A  }
0x23: {  	s9 =	sor.u32 $0xD0000000, s2;
	s6 =	simm.s32 $0x108;
	_ =	swait.ge @!p0 [sflag:s8], $0x0  }
0x24: {  	s3 =	sadd.s32 $0x88, s3;
	s6 =	simm.s32 @!p1 $0x1082;
	[sflag:s4] =	ssyncset.s32 $0xFFFFF086  }
0x25: {  	[simem:s6], [sflag:s4] =	dma.local [hbm:s3], $0xF7A  }
0x26: {  	[smem:$0x3F95] =	sst s1;
	(tag) =	ssettag s2;
	_ =	strace s9  }
0x27: {  	s1 =	sld [smem:$0x3FA5]  }
0x28: {  	s2 =	sld [smem:$0x3FA6]  }
0x29: {  	s4 =	sld [smem:$0x3FA8]  }
0x2a: {  	p0 =	seq.s32 s5, $0x0;
	s5 =	sld [smem:$0x3FA9]  }
0x2b: {  	s6 =	sld [smem:$0x3FAA]  }
0x2c: {  	s7 =	sld [smem:$0x3FAB]  }
0x2d: {  	s3 =	simm.s32 $0x108;
	s8 =	sld [smem:$0x3FAC]  }
0x2e: {  	s3 =	simm.s32 @!p0 $0x1082;
	s9 =	sld [smem:$0x3FAD]  }
0x2f: {  	lr =	sadd.s32 s0, s3;
	s0 =	sld [smem:$0x3FA4]  }
0x30: {  	s3 =	sld [smem:$0x3FA7]  }
0x31: {  	[smem:$0x3FB0] =	sst s10  }
0x32: {  	s10 =	sld [smem:$0x3FAE];
	_ =	sdelay $0x3  }
0x33: {  	p0 =	seq.s32 s10, $0x1;
	s10 =	sld [smem:$0x3FB0];
	_ =	sdelay $0x3  }
0x34: {  	[smem:$0x3FB0] =	sst s10  }
0x35: {  	s10 =	sld [smem:$0x3FAF];
	_ =	sdelay $0x3  }
0x36: {  	p1 =	seq.s32 s10, $0x1;
	s10 =	sld [smem:$0x3FB0];
	_ =	sdelay $0x3  }
0x37: {  	[smem:$0x3FB0] =	sst s10  }
0x38: {  	s10 =	sld [smem:$0x3FB1]  }
0x39: {  	_ = 	snop;
	(pc) =	sbr.ind lr, $3  }
0x3a: {  	_ = 	snop  }
0x3b: {  	_ = 	snop  }
0x3c: {  	p2 =	seq.s32 s10, $0x1;
	s10 =	sld [smem:$0x3FB0]  }
0x3d: {  	_ =	shalt  }
0x3e: {  	_ =	shalt  }
0x3f: {  	_ =	shalt  }
0x40: {  	_ =	shalt  }
0x41: {  	_ =	shalt  }
0x42: {  	_ =	shalt  }
0x43: {  	_ =	shalt  }
0x44: {  	_ =	shalt  }
0x45: {  	_ =	shalt  }
0x46: {  	_ =	shalt  }
0x47: {  	_ =	shalt  }
0x48: {  	_ =	shalt  }
0x49: {  	_ =	shalt  }
0x4a: {  	_ =	shalt  }
0x4b: {  	_ =	shalt  }
0x4c: {  	_ =	shalt  }
0x4d: {  	_ =	shalt  }
0x4e: {  	_ =	shalt  }
0x4f: {  	_ =	shalt  }
0x50: {  	_ =	shalt  }
0x51: {  	_ =	shalt  }
0x52: {  	_ =	shalt  }
0x53: {  	_ =	shalt  }
0x54: {  	_ =	shalt  }
0x55: {  	_ =	shalt  }
0x56: {  	_ =	shalt  }
0x57: {  	_ =	shalt  }
0x58: {  	_ =	shalt  }
0x59: {  	_ =	shalt  }
0x5a: {  	_ =	shalt  }
0x5b: {  	_ =	shalt  }
0x5c: {  	_ =	shalt  }
0x5d: {  	_ =	shalt  }
0x5e: {  	_ =	shalt  }
0x5f: {  	_ =	shalt  }
0x60: {  	_ =	shalt  }
0x61: {  	_ =	shalt  }
0x62: {  	_ =	shalt  }
0x63: {  	_ =	shalt  }
0x64: {  	_ =	shalt  }
0x65: {  	_ =	shalt  }
0x66: {  	_ =	shalt  }
0x67: {  	_ =	shalt  }
0x68: {  	_ =	shalt  }
0x69: {  	_ =	shalt  }
0x6a: {  	_ =	shalt  }
0x6b: {  	_ =	shalt  }
0x6c: {  	_ =	shalt  }
0x6d: {  	_ =	shalt  }
0x6e: {  	_ =	shalt  }
0x6f: {  	_ =	shalt  }
0x70: {  	_ =	shalt  }
0x71: {  	_ =	shalt  }
0x72: {  	_ =	shalt  }
0x73: {  	_ =	shalt  }
0x74: {  	_ =	shalt  }
0x75: {  	_ =	shalt  }
0x76: {  	_ =	shalt  }
0x77: {  	_ =	shalt  }
0x78: {  	_ =	shalt  }
0x79: {  	_ =	shalt  }
0x7a: {  	_ =	shalt  }
0x7b: {  	_ =	shalt  }
0x7c: {  	_ =	shalt  }
0x7d: {  	_ =	shalt  }
0x7e: {  	_ =	shalt  }
0x7f: {  	_ =	shalt  }
0x80: {  	_ =	shalt  }
0x81: {  	_ =	shalt  }
0x82: {  	_ =	shalt  }
0x83: {  	_ =	shalt  }
0x84: {  	_ =	shalt  }
0x85: {  	_ =	shalt  }
0x86: {  	_ =	shalt  }
0x87: {  	_ =	shalt  }
.Lfunc_end0:
.L_simem_size_0:
called_computation_lowered:
.L_overlay_start_0:
0x88: {  	s2 =	sld [smem:$0x3FD9]  }
0x89: {  	s3 =	sld [smem:$0x3FFE];
	_ =	sdelay $0x1  }
0x8a: {  	s1 =	srdreg.scid  }
0x8b: {  	s0 =	sand.u32 $0x1, s1  }
0x8c: {  	s17 =	sshll.u32 s0, $0xA;
	s2 =	sadd.s32 s3, s2  }
0x8d: {  	s2 =	sadd.s32 s2, s17  }
0x8e: {  	[smem:$0x3FBC] =	sst s2  }
0x8f: {  	_ = 	snop  }
0x90: {  	s2 =	sld [smem:$0x3FC5]  }
0x91: {  	s18 =	sld [smem:$0x3FC4]  }
0x92: {  	s4 =	sld [smem:$0x3FC3]  }
0x93: {  	s5 =	sld [smem:$0x3FD0];
	(tm) =	ssettm $0x1  }
0x94: {  	s6 =	sld [smem:$0x3FFB];
	_ =	sdelay $0x3  }
0x95: {  	_ =	strace s6  }
0x96: {  	s6 =	sld [smem:$0x3FFC];
	_ =	sdelay $0x3  }
0x97: {  	_ =	strace s6  }
0x98: {  	s6 =	sld [smem:$0x3FFD];
	_ =	sdelay $0x3  }
0x99: {  	_ =	strace s6  }
0x9a: {  	_ =	strace $0x8FFFFFFF  }
0x9b: {  	s19 =	sld [smem:$0x3FDB];
	_ =	sdelay $0x1  }
0x9c: {  	s7 =	simm.s32 $_scs_section_size  }
0x9d: {  	s8 =	simm.s32 $_size__tile_overlayer_lowered;
	s9 =	simm.s32 $_tile_overlayer_lowered  }
0x9e: {  	s22 =	simm.s32 $0x1BFF;
	s21 =	sshll.u32 s9, $0x1;
	s6 =	sadd.s32 s7, s19  }
0x9f: {  	s10 =	simm.s32 $0x0;
	s20 =	sshll.u32 s8, $0x1;
	s8 =	sadd.s32 s21, s6  }
0xa0: {  	[timem:s10], [sflag:s22] =	dma.local [hbm:s8], s20  }
0xa1: {  	_ =	swait.ge [sflag:s22], s20  }
0xa2: {  	s7 =	ssub.s32 $0x0, s20;
	[sflag:s22] =	ssyncset.done $0x0  }
0xa3: {  	[sflag:s22] =	ssyncadd.s32 s7;
	_ =	sdelay $0x1  }
0xa4: {  	s23 =	simm.s32 $0x1B8B  }
0xa5: {  	_ =	swait.ge [sflag:s23], $0x1  }
0xa6: {  	[sflag:s23] =	ssyncset.done $0x0  }
0xa7: {  	s25 =	simm.s32 $0x1B8E;
	s24 =	sld [smem:$0x3FFE];
	[sflag:s23] =	ssyncadd.s32 $0xFFFFFFFF  }
0xa8: {  	s26 =	simm.s32 $execute0_lowered;
	[smem:$0x3FD2] =	sst s25  }
0xa9: {  	s8 =	sshll.u32 s26, $0x1;
	_ =	strace $0x80000046;
	[dreg:$0x1] =	wrdreg $0xFFFFFFFF  }
0xaa: {  	s28 =	simm.s32 $_size_execute0_lowered;
	s6 =	sadd.s32 s6, s8;
	[dreg:$0x0] =	wrdreg $0x0  }
0xab: {  	s8 =	sshll.u32 s28, $0x1;
	[dreg:$0x2] =	wrdreg s6  }
0xac: {  	[dreg:$0x3] =	wrdreg s8  }
0xad: {  	[dreg:$0x4] =	wrdreg $0xC0  }
0xae: {  	_ =	task [dreg:s10], $0x5FFFF  }
0xaf: {  	[dreg:$0x1] =	wrdreg $0xFFFFFFFF  }
0xb0: {  	[dreg:$0x0] =	wrdreg $0x60  }
0xb1: {  	[dreg:$0x2] =	wrdreg s5  }
0xb2: {  	[dreg:$0x3] =	wrdreg s24  }
0xb3: {  	[dreg:$0x4] =	wrdreg s2  }
0xb4: {  	[dreg:$0x5] =	wrdreg s18  }
0xb5: {  	[dreg:$0x6] =	wrdreg s4  }
0xb6: {  	[dreg:$0x7] =	wrdreg $0x9  }
0xb7: {  	_ =	task.clear_ibuf [dreg:s10], $0x8FFFF;
	_ =	strace $0x90000046  }
0xb8: {  	s29 =	simm.s32 $0x9;
	_ =	strace $0x80000048  }
0xb9: {  	_ =	swait.ge [sflag:s29], $0x1  }
0xba: {  	[sflag:s29] =	ssyncadd.s32 $0xFFFFFFFF  }
0xbb: {  	_ =	strace $0x90000048  }
0xbc: {  	_ =	sfence  }
0xbd: {  	s30 =	sld [smem:$0x0];
	_ =	sdelay $0x2  }
0xbe: {  	s31 =	sshll.u32 s1, $0xD;
	s1 =	sshrl.u32 s1, $0x2  }
0xbf: {  	s3 =	sand.u32 $0x4000, s31;
	s1 =	sadd.s32 s1, s30  }
0xc0: {  	s0 =	sor.u32 s3, s0;
	s1 =	sshll.u32 s1, $0x11  }
0xc1: {  	s0 =	sor.u32 s1, s0  }
0xc2: {  	s0 =	sadd.s32 $0x8F2B, s0  }
0xc3: {  	[sflag:s0] =	ssyncadd.remote.s32 $0x1  }
0xc4: {  	_ =	sfence.sel $0xFFFF  }
0xc5: {  	[dreg:$0x0] =	wrdreg $0xFFFFFFFF;
	(pc) =	sbr.abs _section_cstart, $3  }
0xc6: {  	[dreg:$0x1] =	wrdreg $0xFFFFFFFF  }
0xc7: {  	_ =	task.clear_ibuf [dreg:s10], $0x2FFFF;
	_ =	strace $0x9FFFFFFF  }
0xc8: {  	(tm) =	ssettm $0x7FFFFFFF  }
0xc9: {  	_ =	shalt  }
tec
execute0_lowered:
.L_overlay_start_1:
0x0: {  	(tag) =	ssettag $0x1  }
0x1: {  	s1 =	rddreg [dreg:$0x0]  }
0x2: {  	s9 =	rddreg [dreg:$0x1]  }
0x3: {  	s2 =	rddreg [dreg:$0x2]  }
0x4: {  	s3 =	rddreg [dreg:$0x3]  }
0x5: {  	s4 =	rddreg [dreg:$0x4]  }
0x6: {  	s0 =	rddreg [dreg:$0x5]  }
0x7: {  	s5 =	simm.s32 $0x0;
	s6 =	srdreg.scid;
	s14 =	simm.s32 $0x18700  }
0x8: {  	s15 =	simm.s32 $0x1A300;
	s16 =	simm.s32 $0x1AB00;
	s17 =	simm.s32 $0x1B300  }
0x9: {  	s18 =	simm.s32 $0x1BB00;
	s19 =	simm.s32 $0x0;
	[smem:$0x7FF] =	sst s5  }
0xa: {  	s7 =	sadd.s32 $0x1A00, s9;
	s10 =	sand.u32 $0x1, s6;
	s8 =	sadd.s32 $0x31A00, s9  }
0xb: {  	s6 =	stileid.u32;
	s9 =	sadd.s32 $0x21A00, s9;
	s11 =	ssub.s32 $0x2, s10  }
0xc: {  	s13 =	sshll.u32 s6, $0xC;
	s10 =	sshll.u32 s10, $0xB;
	s12 =	sshrl.u32 s11, $0x1  }
0xd: {  	_ =	strace $0x80000047;
	s10 =	sor.u32 s10, s13;
	s11 =	ssub.s32 s11, s12  }
0xe: {  	s13 =	simm.s32 $0xC380;
	s12 =	simm.s32 $0x1;
	s11 =	smax.u32 s11, $0x1  }
.LBB2_1:
0xf: {  	[tilespmem:s5], [sflag:$0x1] =	stream.linear.gather [hbm4b:s2+s5], $0xC380, $0x38;
	[tilespmem:$0x1C300] =	vst v63  }
0x10: {  	_ =	swait.ge [sflag:s12], $0xC380  }
0x11: {  	[sflag:s12] =	ssyncset.done $0x0  }
0x12: {  	[sflag:s12] =	ssyncadd.s32 $0xFFFF3C80  }
0x13: {  	[tilespmem:s13], [sflag:$0x1] =	stream.linear.gather [hbm4b:s3+s5], $0xC380, $0x38;
	[tilespmem:$0x1C300] =	vst v63  }
0x14: {  	_ =	swait.ge [sflag:s12], $0xC380  }
0x15: {  	[sflag:s12] =	ssyncset.done $0x0  }
0x16: {  	[sflag:s12] =	ssyncadd.s32 $0xFFFF3C80  }
0x17: {  	[tilespmem:s14], [sflag:$0x1] =	stream.linear.gather [hbm4b:s4+s5], $0x1900, $0x38;
	[tilespmem:$0x1C300] =	vst v63  }
0x18: {  	_ =	swait.ge [sflag:s12], $0x1900  }
0x19: {  	[sflag:s12] =	ssyncset.done $0x0  }
0x1a: {  	s20 =	simm.s32 $0x0;
	[sflag:s12] =	ssyncadd.s32 $0xFFFFE700  }
.LBB2_2:
0x1b: {  	s21 =	sshll.u32 s20, $0x8  }
0x1c: {  	s21 =	sadd.s32 s10, s21  }
0x1d: {  	s23 =	simm.s32 $0x0;
	s22 =	sadd.s32 s1, s21  }
0x1e: {  	[tilespmem:s15], [sflag:$0x1] =	stream.linear.gather [hbm4b:s22+s23], $0x800, $0x38;
	[tilespmem:$0x1C300] =	vst v63  }
0x1f: {  	_ =	swait.ge [sflag:s12], $0x800  }
0x20: {  	[sflag:s12] =	ssyncset.done $0x0  }
0x21: {  	s31 =	sadd.s32 s7, s21;
	[sflag:s12] =	ssyncadd.s32 $0xFFFFF800  }
0x22: {  	[tilespmem:s16], [sflag:$0x1] =	stream.linear.gather [hbm4b:s31+s23], $0x800, $0x38;
	[tilespmem:$0x1C300] =	vst v63  }
0x23: {  	_ =	swait.ge [sflag:s12], $0x800  }
0x24: {  	[sflag:s12] =	ssyncset.done $0x0  }
0x25: {  	s22 =	simm.s32 $0x0;
	[sflag:s12] =	ssyncadd.s32 $0xFFFFF800  }
0x26: {  	v0 =	vld [tilespmem:s22+$0x1A300]  }
0x27: {  	v1 =	vld [tilespmem:s22+$0x1AB00];
	_ =	sdelay $0x6  }
0x28: {  	v0 =	vld.idx.msk [tilespmem:v0+s5+$0x0], $0xffff  }
0x29: {  	v2 =	vld.idx.msk [tilespmem:v1+s5+$0x0], $0xffff;
	_ =	sdelay $0x4  }
0x2a: {  	v3 =	vld.idx.msk [tilespmem:v1+s13+$0x0], $0xffff;
	v0 =	vshll.u32 v0, $0x7;
	v1 =	vand.u32 $0xFFFFFF80, v2  }
0x2b: {  	v2 =	vand.u32 $0x7F, v2;
	v0 =	vadd.s32 v0, v1  }
0x2c: {  	v2 =	vor.u32 v2, v0;
	_ =	sdelay $0x1  }
0x2d: {  	s24 =	simm.s32 $0x10  }
0x2e: {  	v1 =	vld [tilespmem:s24+$0x1A300];
	[tilespmem:s22+$0x1B300] =	vst v3  }
0x2f: {  	v0 =	vld [tilespmem:s24+$0x1AB00]  }
0x30: {  	s23 =	simm.s32 $0x80;
	v2 =	vld.idx.msk [tilespmem:v2+s14+$0x0], $0xffff  }
.LBB2_3:
0x31: {  	_ =	sdelay $0x1  }
0x32: {  	p0 =	sne.s32 s23, $0x1FC0;
	s25 =	smov.u32 s23;
	s23 =	sadd.s32 $0x40, s23  }
0x33: {  	_ = 	snop  }
0x34: {  	[tilespmem:s22+$0x1BB00] =	vst v2;
	s22 =	smov.u32 s24  }
0x35: {  	v1 =	vld.idx.msk [tilespmem:v1+s5+$0x0], $0xffff  }
0x36: {  	v2 =	vld.idx.msk [tilespmem:v0+s5+$0x0], $0xffff;
	_ =	sdelay $0x4  }
0x37: {  	v1 =	vshll.u32 v1, $0x7;
	v0 =	vld.idx.msk [tilespmem:v0+s13+$0x0], $0xffff  }
0x38: {  	v3 =	vand.u32 $0xFFFFFF80, v2;
	v2 =	vand.u32 $0x7F, v2  }
0x39: {  	v1 =	vadd.s32 v1, v3  }
0x3a: {  	v2 =	vor.u32 v2, v1  }
.Ltmp0:
0x3b: {  	(pc) =	sbr.rel @p0 .LBB2_3-.Ltmp0, $4  }
0x3c: {  	s24 =	sshra.s32 s25, $0x2  }
0x3d: {  	v1 =	vld [tilespmem:s24+$0x1A300];
	[tilespmem:s22+$0x1B300] =	vst v0  }
0x3e: {  	v0 =	vld [tilespmem:s24+$0x1AB00]  }
0x3f: {  	v2 =	vld.idx.msk [tilespmem:v2+s14+$0x0], $0xffff  }
0x40: {  	_ =	sdelay $0x4  }
0x41: {  	[tilespmem:s22+$0x1BB00] =	vst v2  }
0x42: {  	v1 =	vld.idx.msk [tilespmem:v1+s5+$0x0], $0xffff  }
0x43: {  	v2 =	vld.idx.msk [tilespmem:v0+s5+$0x0], $0xffff;
	_ =	sdelay $0x4  }
0x44: {  	v1 =	vshll.u32 v1, $0x7;
	v3 =	vand.u32 $0xFFFFFF80, v2  }
0x45: {  	v63 =	vld.idx.msk [tilespmem:v0+s13+$0x0], $0xffff;
	v2 =	vand.u32 $0x7F, v2;
	v1 =	vadd.s32 v1, v3  }
0x46: {  	v1 =	vor.u32 v2, v1;
	_ =	sdelay $0x3  }
0x47: {  	[tilespmem:s24+$0x1B300] =	vst v63  }
0x48: {  	v0 =	vld.idx.msk [tilespmem:v1+s14+$0x0], $0xffff;
	_ =	sdelay $0x4  }
0x49: {  	s30 =	sadd.s32 s8, s21;
	[tilespmem:s24+$0x1BB00] =	vst v0  }
0x4a: {  	[hbm4b:s30+s5] =	stream.linear.scatter [tilespmem:s17], [sflag:$0x1], $0x800, $0x38;
	[tilespmem:$0x1C300] =	vst v63  }
0x4b: {  	s20 =	sadd.s32 $0x1, s20;
	_ =	swait.ge [sflag:s12], $0x800  }
0x4c: {  	p0 =	sne.s32 s20, $0x8;
	[sflag:s12] =	ssyncset.done $0x0  }
.Ltmp1:
0x4d: {  	s31 =	sadd.s32 s9, s21;
	[sflag:s12] =	ssyncadd.s32 $0xFFFFF800;
	(pc) =	sbr.rel @p0 .LBB2_2-.Ltmp1, $4  }
0x4e: {  	[hbm4b:s31+s5] =	stream.linear.scatter [tilespmem:s18], [sflag:$0x1], $0x800, $0x38;
	[tilespmem:$0x1C300] =	vst v63  }
0x4f: {  	_ =	swait.ge [sflag:s12], $0x800  }
0x50: {  	[sflag:s12] =	ssyncset.done $0x0  }
0x51: {  	[sflag:s12] =	ssyncadd.s32 $0xFFFFF800  }
0x52: {  	s19 =	sadd.s32 $0x1, s19  }
0x53: {  	p0 =	sne.s32 s19, s11  }
.Ltmp2:
0x54: {  	_ = 	snop;
	(pc) =	sbr.rel @p0 .LBB2_1-.Ltmp2, $1  }
0x55: {  	_ =	sdelay $0x3  }
0x56: {  	_ =	sfence.sel $0x180000  }
0x57: {  	[bflag:$0x0] =	sbarrier.arrive $0xFFFF  }
0x58: {  	p0 =	sne.s32 s6, $0x0;
	_ =	strace $0x90000047  }
0x59: {  	s0 =	sadd.s32 @!p0 $0x100000, s0;
	[bflag:$0x2] =	sbarrier.arrive $0xFFFF  }
0x5a: {  	[sflag:s0] =	ssyncadd.tile.s32 @!p0 $0x1;
	_ =	shalt  }
.Lfunc_end2:
_tile_overlayer_lowered:
.L_overlay_start_2:
0x5b: {  	(tag) =	ssettag $0x2  }
0x5c: {  	s0 =	rddreg [dreg:$0x0];
	s2 =	stileid.u32  }
0x5d: {  	s1 =	rddreg [dreg:$0x1];
	p0 =	sne.s32 s2, $0x0  }
0x5e: {  	s3 =	rddreg [dreg:$0x2];
	[bflag:$0x3] =	sbarrier.arrive $0xFFFF;
	s2 =	simm.s32 @!p0 $0x1C01  }
0x5f: {  	[timem:s3], [sflag:s2] =	dma.local @!p0 [hbm:s0], s1  }
0x60: {  	s0 =	simm.s32 @!p0 $0x1  }
0x61: {  	_ =	swait.ge @!p0 [sflag:s0], s1  }
0x62: {  	s1 =	ssub.s32 @!p0 $0x0, s1;
	[sflag:s0] =	ssyncset.done @!p0 $0x0  }
0x63: {  	[sflag:s0] =	ssyncadd.s32 @!p0 s1  }
0x64: {  	[bflag:$0x3] =	sbarrier.arrive $0xFFFF  }
0x65: {  	_ =	shalt  }

// kernel: kernel.9.cloned.1.call-start
scs
__scs_entry_jumppad:
0x0: {  	(pc) =	sbr.rel $0x88, $3  }
0x1: {  	(tag) =	ssettag $0x0;
	lr =	simm.s32 $0x1  }
0x2: {  	[smem:$0x3F95] =	sst lr;
	_ =	strace $0xD0000000  }
0x3: {  	_ = 	snop  }
0x4: {  	_ = 	snop  }
0x5: {  	_ = 	snop  }
0x6: {  	_ = 	snop  }
0x7: {  	_ = 	snop  }
__scs_overlays_trampoline_lowered:
0x8: {  	[smem:$0x3FA4] =	sst s0  }
0x9: {  	[smem:$0x3FA5] =	sst s1  }
0xa: {  	[smem:$0x3FA6] =	sst s2  }
0xb: {  	[smem:$0x3FA7] =	sst s3  }
0xc: {  	[smem:$0x3FA8] =	sst s4  }
0xd: {  	[smem:$0x3FA9] =	sst s5  }
0xe: {  	[smem:$0x3FAA] =	sst s6  }
0xf: {  	[smem:$0x3FAB] =	sst s7  }
0x10: {  	[smem:$0x3FAC] =	sst s8  }
0x11: {  	[smem:$0x3FAD] =	sst s9;
	s0 =	simm.s32 @!p0 $0x0  }
0x12: {  	s1 =	sld [smem:$0x3F93];
	s0 =	simm.s32 @p0 $0x1  }
0x13: {  	[smem:$0x3FAE] =	sst s0;
	s0 =	simm.s32 @!p1 $0x0  }
0x14: {  	s2 =	sld [smem:$0x3F92];
	s0 =	simm.s32 @p1 $0x1  }
0x15: {  	[smem:$0x3FAF] =	sst s0;
	s0 =	simm.s32 @!p2 $0x0  }
0x16: {  	s3 =	sld [smem:$0x3FDB];
	s0 =	simm.s32 @p2 $0x1  }
0x17: {  	s4 =	simm.s32 $0x1BF5;
	[smem:$0x3FB1] =	sst s0  }
0x18: {  	s0 =	sld [smem:$0x3F94];
	_ =	swait.ge [sflag:s4], $0x0  }
0x19: {  	s7 =	sld [smem:$0x3F95]  }
0x1a: {  	s8 =	sadd.s32 $0xFFFFE003, lr  }
0x1b: {  	s9 =	sadd.s32 $0xFFFFFEF7, lr;
	s5 =	simm.s32 $0xFFFFFFFF;
	p2 =	slt.u32 s8, $0xFFFFF086  }
0x1c: {  	p1 =	slt.u32 s9, $0xF7A;
	s5 =	simm.s32 @!p2 $0x0  }
0x1d: {  	s5 =	simm.s32 @p1 $0x1;
	p0 =	seq.s32 s7, s2  }
0x1e: {  	s7 =	smul.u32 @!p0 $0xF7A, s2;
	p2 =	seq.s32 @!p0 s5, $0x0  }
0x1f: {  	s9 =	smul.u32 $0xF7A, s1;
	s8 =	simm.s32 @!p0 $0x1BF5;
	p2 =	por !p2, p0  }
0x20: {  	[sflag:s8] =	ssyncset.s32 @!p0 $0xFFFFF086;
	s6 =	sadd.s32 @!p0 s3, s7;
	s7 =	simm.s32 @!p0 $0x108  }
0x21: {  	s3 =	sadd.s32 s3, s9;
	s6 =	sadd.s32 @!p0 $0x88, s6;
	s7 =	simm.s32 @p2 $0x1082  }
0x22: {  	[simem:s7], [sflag:s8] =	dma.local @!p0 [hbm:s6], $0xF7A  }
0x23: {  	s9 =	sor.u32 $0xD0000000, s2;
	s6 =	simm.s32 $0x108;
	_ =	swait.ge @!p0 [sflag:s8], $0x0  }
0x24: {  	s3 =	sadd.s32 $0x88, s3;
	s6 =	simm.s32 @!p1 $0x1082;
	[sflag:s4] =	ssyncset.s32 $0xFFFFF086  }
0x25: {  	[simem:s6], [sflag:s4] =	dma.local [hbm:s3], $0xF7A  }
0x26: {  	[smem:$0x3F95] =	sst s1;
	(tag) =	ssettag s2;
	_ =	strace s9  }
0x27: {  	s1 =	sld [smem:$0x3FA5]  }
0x28: {  	s2 =	sld [smem:$0x3FA6]  }
0x29: {  	s4 =	sld [smem:$0x3FA8]  }
0x2a: {  	p0 =	seq.s32 s5, $0x0;
	s5 =	sld [smem:$0x3FA9]  }
0x2b: {  	s6 =	sld [smem:$0x3FAA]  }
0x2c: {  	s7 =	sld [smem:$0x3FAB]  }
0x2d: {  	s3 =	simm.s32 $0x108;
	s8 =	sld [smem:$0x3FAC]  }
0x2e: {  	s3 =	simm.s32 @!p0 $0x1082;
	s9 =	sld [smem:$0x3FAD]  }
0x2f: {  	lr =	sadd.s32 s0, s3;
	s0 =	sld [smem:$0x3FA4]  }
0x30: {  	s3 =	sld [smem:$0x3FA7]  }
0x31: {  	[smem:$0x3FB0] =	sst s10  }
0x32: {  	s10 =	sld [smem:$0x3FAE];
	_ =	sdelay $0x3  }
0x33: {  	p0 =	seq.s32 s10, $0x1;
	s10 =	sld [smem:$0x3FB0];
	_ =	sdelay $0x3  }
0x34: {  	[smem:$0x3FB0] =	sst s10  }
0x35: {  	s10 =	sld [smem:$0x3FAF];
	_ =	sdelay $0x3  }
0x36: {  	p1 =	seq.s32 s10, $0x1;
	s10 =	sld [smem:$0x3FB0];
	_ =	sdelay $0x3  }
0x37: {  	[smem:$0x3FB0] =	sst s10  }
0x38: {  	s10 =	sld [smem:$0x3FB1]  }
0x39: {  	_ = 	snop;
	(pc) =	sbr.ind lr, $3  }
0x3a: {  	_ = 	snop  }
0x3b: {  	_ = 	snop  }
0x3c: {  	p2 =	seq.s32 s10, $0x1;
	s10 =	sld [smem:$0x3FB0]  }
0x3d: {  	_ =	shalt  }
0x3e: {  	_ =	shalt  }
0x3f: {  	_ =	shalt  }
0x40: {  	_ =	shalt  }
0x41: {  	_ =	shalt  }
0x42: {  	_ =	shalt  }
0x43: {  	_ =	shalt  }
0x44: {  	_ =	shalt  }
0x45: {  	_ =	shalt  }
0x46: {  	_ =	shalt  }
0x47: {  	_ =	shalt  }
0x48: {  	_ =	shalt  }
0x49: {  	_ =	shalt  }
0x4a: {  	_ =	shalt  }
0x4b: {  	_ =	shalt  }
0x4c: {  	_ =	shalt  }
0x4d: {  	_ =	shalt  }
0x4e: {  	_ =	shalt  }
0x4f: {  	_ =	shalt  }
0x50: {  	_ =	shalt  }
0x51: {  	_ =	shalt  }
0x52: {  	_ =	shalt  }
0x53: {  	_ =	shalt  }
0x54: {  	_ =	shalt  }
0x55: {  	_ =	shalt  }
0x56: {  	_ =	shalt  }
0x57: {  	_ =	shalt  }
0x58: {  	_ =	shalt  }
0x59: {  	_ =	shalt  }
0x5a: {  	_ =	shalt  }
0x5b: {  	_ =	shalt  }
0x5c: {  	_ =	shalt  }
0x5d: {  	_ =	shalt  }
0x5e: {  	_ =	shalt  }
0x5f: {  	_ =	shalt  }
0x60: {  	_ =	shalt  }
0x61: {  	_ =	shalt  }
0x62: {  	_ =	shalt  }
0x63: {  	_ =	shalt  }
0x64: {  	_ =	shalt  }
0x65: {  	_ =	shalt  }
0x66: {  	_ =	shalt  }
0x67: {  	_ =	shalt  }
0x68: {  	_ =	shalt  }
0x69: {  	_ =	shalt  }
0x6a: {  	_ =	shalt  }
0x6b: {  	_ =	shalt  }
0x6c: {  	_ =	shalt  }
0x6d: {  	_ =	shalt  }
0x6e: {  	_ =	shalt  }
0x6f: {  	_ =	shalt  }
0x70: {  	_ =	shalt  }
0x71: {  	_ =	shalt  }
0x72: {  	_ =	shalt  }
0x73: {  	_ =	shalt  }
0x74: {  	_ =	shalt  }
0x75: {  	_ =	shalt  }
0x76: {  	_ =	shalt  }
0x77: {  	_ =	shalt  }
0x78: {  	_ =	shalt  }
0x79: {  	_ =	shalt  }
0x7a: {  	_ =	shalt  }
0x7b: {  	_ =	shalt  }
0x7c: {  	_ =	shalt  }
0x7d: {  	_ =	shalt  }
0x7e: {  	_ =	shalt  }
0x7f: {  	_ =	shalt  }
0x80: {  	_ =	shalt  }
0x81: {  	_ =	shalt  }
0x82: {  	_ =	shalt  }
0x83: {  	_ =	shalt  }
0x84: {  	_ =	shalt  }
0x85: {  	_ =	shalt  }
0x86: {  	_ =	shalt  }
0x87: {  	_ =	shalt  }
.Lfunc_end0:
.L_simem_size_0:
called_computation.1_lowered:
.L_overlay_start_0:
0x88: {  	s2 =	sld [smem:$0x3FD9]  }
0x89: {  	s3 =	sld [smem:$0x3FFE];
	_ =	sdelay $0x1  }
0x8a: {  	s1 =	srdreg.scid  }
0x8b: {  	s0 =	sand.u32 $0x1, s1  }
0x8c: {  	s17 =	sshll.u32 s0, $0xA;
	s2 =	sadd.s32 s3, s2  }
0x8d: {  	s2 =	sadd.s32 s2, s17  }
0x8e: {  	[smem:$0x3FBC] =	sst s2  }
0x8f: {  	_ = 	snop  }
0x90: {  	s18 =	sld [smem:$0x3FC2];
	(tm) =	ssettm $0x1  }
0x91: {  	s19 =	sld [smem:$0x3FFB];
	_ =	sdelay $0x3  }
0x92: {  	_ =	strace s19  }
0x93: {  	s2 =	sld [smem:$0x3FFC];
	_ =	sdelay $0x3  }
0x94: {  	_ =	strace s2  }
0x95: {  	s2 =	sld [smem:$0x3FFD];
	_ =	sdelay $0x3  }
0x96: {  	_ =	strace s2  }
0x97: {  	_ =	strace $0x8FFFFFFF  }
0x98: {  	s20 =	sld [smem:$0x3FDB];
	_ =	sdelay $0x1  }
0x99: {  	s4 =	simm.s32 $_scs_section_size  }
0x9a: {  	s5 =	simm.s32 $_size__tile_overlayer_lowered;
	s6 =	simm.s32 $_tile_overlayer_lowered  }
0x9b: {  	s7 =	simm.s32 $0x1BFF;
	s21 =	sshll.u32 s6, $0x1;
	s4 =	sadd.s32 s4, s20  }
0x9c: {  	s22 =	simm.s32 $0x0;
	s5 =	sshll.u32 s5, $0x1;
	s6 =	sadd.s32 s21, s4  }
0x9d: {  	[timem:s22], [sflag:s7] =	dma.local [hbm:s6], s5  }
0x9e: {  	_ =	swait.ge [sflag:s7], s5  }
0x9f: {  	s5 =	ssub.s32 $0x0, s5;
	[sflag:s7] =	ssyncset.done $0x0  }
0xa0: {  	[sflag:s7] =	ssyncadd.s32 s5;
	_ =	sdelay $0x1  }
0xa1: {  	s23 =	simm.s32 $0x1B8B  }
0xa2: {  	_ =	swait.ge [sflag:s23], $0x1  }
0xa3: {  	[sflag:s23] =	ssyncset.done $0x0  }
0xa4: {  	[sflag:s23] =	ssyncadd.s32 $0xFFFFFFFF  }
0xa5: {  	s5 =	sld [smem:$0x0]  }
0xa6: {  	s6 =	sand.u32 $0xFFFFFFFE, s1  }
0xa7: {  	p0 =	sne.s32 s1, s6  }
0xa8: {  	s6 =	sshll.u32 @p0 s6, $0xE  }
0xa9: {  	s6 =	sadd.s32 @p0 $0x11B8D, s6;
	s7 =	sshll.u32 @p0 s5, $0x11  }
0xaa: {  	s6 =	sor.u32 @p0 s7, s6  }
0xab: {  	[sflag:s6] =	ssyncadd.remote.s32 @p0 $0x1;
	_ =	sdelay $0x1  }
0xac: {  	s6 =	simm.s32 @p0 $0x1B8D  }
0xad: {  	_ =	swait.eq @p0 [sflag:s6], $0x1  }
0xae: {  	[sflag:s6] =	ssyncadd.s32 @p0 $0xFFFFFFFF  }
0xaf: {  	s7 =	sshll.u32 @!p0 s1, $0xE  }
0xb0: {  	s7 =	sor.u32 @!p0 $0x4000, s7;
	s6 =	simm.s32 @!p0 $0x1B8D  }
0xb1: {  	s5 =	sshll.u32 @!p0 s5, $0x11;
	s7 =	sadd.s32 @!p0 $0x11B8D, s7;
	_ =	swait.eq @!p0 [sflag:s6], $0x1  }
0xb2: {  	s5 =	sor.u32 @!p0 s5, s7;
	[sflag:s6] =	ssyncadd.s32 @!p0 $0xFFFFFFFF  }
0xb3: {  	s25 =	simm.s32 $0x1B8E;
	s24 =	sld [smem:$0x3FFE];
	[sflag:s5] =	ssyncadd.remote.s32 @!p0 $0x1  }
0xb4: {  	s26 =	simm.s32 $execute0_lowered;
	[smem:$0x3FD2] =	sst s25  }
0xb5: {  	s6 =	sshll.u32 s26, $0x1;
	_ =	strace $0x80000049;
	[dreg:$0x1] =	wrdreg $0xFFFFFFFF  }
0xb6: {  	s28 =	simm.s32 $_size_execute0_lowered;
	s4 =	sadd.s32 s4, s6;
	[dreg:$0x0] =	wrdreg $0x0  }
0xb7: {  	s6 =	sshll.u32 s28, $0x1;
	[dreg:$0x2] =	wrdreg s4  }
0xb8: {  	[dreg:$0x3] =	wrdreg s6  }
0xb9: {  	[dreg:$0x4] =	wrdreg $0xC0  }
0xba: {  	_ =	task [dreg:s22], $0x5FFFF  }
0xbb: {  	[dreg:$0x1] =	wrdreg $0xFFFFFFFF  }
0xbc: {  	[dreg:$0x0] =	wrdreg $0x60  }
0xbd: {  	[dreg:$0x2] =	wrdreg s24  }
0xbe: {  	[dreg:$0x3] =	wrdreg s18  }
0xbf: {  	[dreg:$0x4] =	wrdreg $0xA  }
0xc0: {  	_ =	task.clear_ibuf [dreg:s22], $0x5FFFF;
	_ =	strace $0x90000049  }
0xc1: {  	s29 =	simm.s32 $0xA;
	_ =	strace $0x8000004B  }
0xc2: {  	_ =	swait.ge [sflag:s29], $0x1  }
0xc3: {  	[sflag:s29] =	ssyncadd.s32 $0xFFFFFFFF  }
0xc4: {  	_ =	strace $0x9000004B  }
0xc5: {  	_ =	sfence  }
0xc6: {  	s30 =	sld [smem:$0x0];
	_ =	sdelay $0x2  }
0xc7: {  	s31 =	sshll.u32 s1, $0xD;
	s1 =	sshrl.u32 s1, $0x2  }
0xc8: {  	s4 =	sand.u32 $0x4000, s31;
	s1 =	sadd.s32 s1, s30  }
0xc9: {  	s0 =	sor.u32 s4, s0;
	s1 =	sshll.u32 s1, $0x11  }
0xca: {  	s0 =	sor.u32 s1, s0  }
0xcb: {  	s0 =	sadd.s32 $0x8F2B, s0  }
0xcc: {  	[sflag:s0] =	ssyncadd.remote.s32 $0x1  }
0xcd: {  	_ =	sfence.sel $0xFFFF  }
0xce: {  	[dreg:$0x0] =	wrdreg $0xFFFFFFFF;
	(pc) =	sbr.abs _section_cstart, $3  }
0xcf: {  	[dreg:$0x1] =	wrdreg $0xFFFFFFFF  }
0xd0: {  	_ =	task.clear_ibuf [dreg:s22], $0x2FFFF;
	_ =	strace $0x9FFFFFFF  }
0xd1: {  	(tm) =	ssettm $0x7FFFFFFF  }
tec
execute0_lowered:
.L_overlay_start_1:
0x0: {  	(tag) =	ssettag $0x1  }
0x1: {  	s0 =	rddreg [dreg:$0x0]  }
0x2: {  	s1 =	rddreg [dreg:$0x1]  }
0x3: {  	s3 =	simm.s32 $0x0;
	s2 =	srdreg.scid;
	s10 =	stileid.u32  }
0x4: {  	s18 =	simm.s32 $0x9;
	s28 =	simm.s32 $0x2;
	s29 =	simm.s32 $0x3  }
0x5: {  	s30 =	simm.s32 $0x4;
	s31 =	simm.s32 $0x5;
	s6 =	smul.u32 $0x600, s10  }
0x6: {  	[smem:$0x7FF] =	sst s3;
	s2 =	sand.u32 $0x1, s2;
	s9 =	smul.u32 $0xA00, s10  }
0x7: {  	s7 =	sadd.s32 $0x11A00, s0;
	s4 =	sadd.s32 $0x41A00, s0;
	s22 =	smul.u32 $0x30000, s10  }
0x8: {  	s23 =	smul.u32 $0x50000, s10;
	s0 =	simm.s32 $0x6;
	s5 =	ssub.s32 $0x2, s2  }
0x9: {  	_ =	strace $0x8000004A;
	p0 =	seq.s32 s2, $0x1;
	s8 =	sshrl.u32 s5, $0x1  }
0xa: {  	s20 =	sadd.s32 s7, s6;
	s21 =	sadd.s32 s7, s9;
	s24 =	sadd.s32 $0x2E000, s22  }
0xb: {  	s25 =	sadd.s32 $0x2E800, s22;
	s26 =	sadd.s32 $0x2F000, s22;
	s13 =	sadd.s32 $0x34E800, s23  }
0xc: {  	s11 =	sadd.s32 $0x2F800, s22;
	s14 =	sadd.s32 $0x34F000, s23;
	s15 =	sadd.s32 $0x34F800, s23  }
0xd: {  	s16 =	sadd.s32 s22, s4;
	s17 =	sadd.s32 s23, s4;
	[dreg:$0x3] =	wrdreg s20  }
0xe: {  	s6 =	simm.s32 $0x0;
	s19 =	ssub.s32 s5, s8;
	[dreg:$0x5] =	wrdreg s24  }
.Ltmp0:
0xf: {  	s2 =	sadd.s32 $0x6000, s21;
	[dreg:$0x6] =	wrdreg s25;
	(pc) =	sbr.rel .LBB2_1-.Ltmp0, $4  }
0x10: {  	[dreg:$0x7] =	wrdreg s26;
	s24 =	sadd.s32 $0x34E000, s23;
	s20 =	simm.s32 $0x5000  }
0x11: {  	s21 =	simm.s32 $0x9000;
	s23 =	simm.s32 $0xD000;
	s25 =	simm.s32 $0x11000  }
0x12: {  	s26 =	simm.s32 $0x1;
	s5 =	simm.s32 $0x8;
	[dreg:$0x4] =	wrdreg s2  }
0x13: {  	s7 =	smax.u32 s19, $0x1;
	s19 =	simm.s32 $0x80;
	s2 =	simm.s32 $0x7  }
.LBB2_7:
0x14: {  	[tilespmem:s25], [sflag:$0x4] =	stream.indirect.gather [hbm4b:s1+s19], $0x80, s22, s19, $0xb8;
	[tilespmem:$0x15000] =	vst v63  }
0x15: {  	s12 =	smov.u32 s24  }
0x16: {  	s22 =	smov.u32 s13;
	s9 =	smov.u32 s14;
	s8 =	smov.u32 s15  }
.LBB2_8:
0x17: {  	_ =	swait.ge [sflag:s26], $0x4000  }
0x18: {  	[sflag:s26] =	ssyncset.done $0x0  }
0x19: {  	s10 =	sadd.s32 s4, s12;
	[sflag:s26] =	ssyncadd.s32 $0xFFFFC000  }
0x1a: {  	[hbm4b:s10+s3] =	stream.linear.scatter [tilespmem:s20], [sflag:$0x5], $0x4000, $0x38;
	[tilespmem:$0x15000] =	vst v63  }
0x1b: {  	_ =	swait.ge [sflag:s28], $0x4000  }
0x1c: {  	[sflag:s28] =	ssyncset.done $0x0  }
0x1d: {  	s22 =	sadd.s32 s4, s22;
	[sflag:s28] =	ssyncadd.s32 $0xFFFFC000  }
0x1e: {  	[hbm4b:s22+s3] =	stream.linear.scatter [tilespmem:s21], [sflag:$0x6], $0x4000, $0x38;
	[tilespmem:$0x15000] =	vst v63  }
0x1f: {  	_ =	swait.ge [sflag:s29], $0x4000  }
0x20: {  	[sflag:s29] =	ssyncset.done $0x0  }
0x21: {  	s9 =	sadd.s32 s4, s9;
	[sflag:s29] =	ssyncadd.s32 $0xFFFFC000  }
0x22: {  	[hbm4b:s9+s3] =	stream.linear.scatter [tilespmem:s23], [sflag:$0x7], $0x4000, $0x38;
	[tilespmem:$0x15000] =	vst v63  }
0x23: {  	_ =	swait.ge [sflag:s30], $0x4000  }
0x24: {  	[sflag:s30] =	ssyncset.done $0x0  }
0x25: {  	s8 =	sadd.s32 s4, s8;
	[sflag:s30] =	ssyncadd.s32 $0xFFFFC000  }
0x26: {  	[hbm4b:s8+s3] =	stream.linear.scatter [tilespmem:s25], [sflag:$0x8], $0x4000, $0x38;
	[tilespmem:$0x15000] =	vst v63  }
0x27: {  	_ =	swait.ge [sflag:s31], $0x4000  }
0x28: {  	[sflag:s31] =	ssyncset.done $0x0  }
0x29: {  	[sflag:s31] =	ssyncadd.s32 $0xFFFFC000  }
0x2a: {  	_ =	swait.ge [sflag:s0], $0x4000  }
0x2b: {  	[sflag:s0] =	ssyncset.done $0x0  }
0x2c: {  	s6 =	sadd.s32 $0x1, s6;
	[sflag:s0] =	ssyncadd.s32 $0xFFFFC000  }
0x2d: {  	p1 =	sne.s32 s6, s7;
	_ =	swait.ge [sflag:s2], $0x4000  }
.Ltmp1:
0x2e: {  	[sflag:s2] =	ssyncset.done $0x0;
	(pc) =	sbr.rel @!p1 .LBB2_9-.Ltmp1, $4  }
0x2f: {  	[sflag:s2] =	ssyncadd.s32 $0xFFFFC000  }
0x30: {  	_ =	swait.ge [sflag:s5], $0x4000  }
0x31: {  	[sflag:s5] =	ssyncset.done $0x0  }
0x32: {  	[sflag:s5] =	ssyncadd.s32 $0xFFFFC000  }
.LBB2_1:
.Ltmp2:
0x33: {  	(pc) =	sbr.rel @!p0 .LBB2_2-.Ltmp2, $2  }
0x34: {  	_ =	sdelay $0x2  }
0x35: {  	s8 =	simm.s32 $0x0  }
0x36: {  	s9 =	rddreg [dreg:$0x4]  }
0x37: {  	[tilespmem:s8], [sflag:$0x9] =	stream.linear.gather [hbm4b:s9+s8], $0x5000, $0x38;
	[tilespmem:$0x15000] =	vst v63  }
0x38: {  	_ =	swait.ge [sflag:s18], $0x5000  }
0x39: {  	[sflag:s18] =	ssyncset.done $0x0  }
0x3a: {  	[sflag:s18] =	ssyncadd.s32 $0xFFFFB000  }
0x3b: {  	[tilespmem:s20], [sflag:$0x1] =	stream.indirect.gather [hbm4b:s1+s19], $0x80, s8, s19, $0xb8;
	[tilespmem:$0x15000] =	vst v63  }
0x3c: {  	_ = 	snop  }
0x3d: {  	[tilespmem:s21], [sflag:$0x2] =	stream.indirect.gather [hbm4b:s1+s19], $0x80, s19, s19, $0xb8;
	[tilespmem:$0x15000] =	vst v63  }
0x3e: {  	s22 =	simm.s32 $0x100  }
0x3f: {  	[tilespmem:s23], [sflag:$0x3] =	stream.indirect.gather [hbm4b:s1+s19], $0x80, s22, s19, $0xb8;
	[tilespmem:$0x15000] =	vst v63  }
0x40: {  	s9 =	simm.s32 $0x180  }
0x41: {  	[tilespmem:s25], [sflag:$0x4] =	stream.indirect.gather [hbm4b:s1+s19], $0x80, s9, s19, $0xb8;
	[tilespmem:$0x15000] =	vst v63  }
0x42: {  	_ =	swait.ge [sflag:s26], $0x4000  }
0x43: {  	s8 =	sadd.s32 $0x0, s17;
	[sflag:s26] =	ssyncset.done $0x0  }
0x44: {  	s10 =	sadd.s32 $0x300000, s8;
	[sflag:s26] =	ssyncadd.s32 $0xFFFFC000  }
0x45: {  	[hbm4b:s10+s3] =	stream.linear.scatter [tilespmem:s20], [sflag:$0x5], $0x4000, $0x38;
	[tilespmem:$0x15000] =	vst v63  }
0x46: {  	_ =	swait.ge [sflag:s28], $0x4000  }
0x47: {  	[sflag:s28] =	ssyncset.done $0x0  }
0x48: {  	s12 =	sadd.s32 $0x300800, s8;
	[sflag:s28] =	ssyncadd.s32 $0xFFFFC000  }
0x49: {  	[hbm4b:s12+s3] =	stream.linear.scatter [tilespmem:s21], [sflag:$0x6], $0x4000, $0x38;
	[tilespmem:$0x15000] =	vst v63  }
0x4a: {  	_ =	swait.ge [sflag:s29], $0x4000  }
0x4b: {  	[sflag:s29] =	ssyncset.done $0x0  }
0x4c: {  	s22 =	sadd.s32 $0x301000, s8;
	[sflag:s29] =	ssyncadd.s32 $0xFFFFC000  }
0x4d: {  	[hbm4b:s22+s3] =	stream.linear.scatter [tilespmem:s23], [sflag:$0x7], $0x4000, $0x38;
	[tilespmem:$0x15000] =	vst v63  }
0x4e: {  	_ =	swait.ge [sflag:s30], $0x4000  }
0x4f: {  	[sflag:s30] =	ssyncset.done $0x0  }
0x50: {  	s8 =	sadd.s32 $0x301800, s8;
	[sflag:s30] =	ssyncadd.s32 $0xFFFFC000  }
0x51: {  	[hbm4b:s8+s3] =	stream.linear.scatter [tilespmem:s25], [sflag:$0x8], $0x4000, $0x38;
	[tilespmem:$0x15000] =	vst v63  }
0x52: {  	_ =	swait.ge [sflag:s31], $0x4000  }
0x53: {  	[sflag:s31] =	ssyncset.done $0x0  }
0x54: {  	s10 =	simm.s32 $0x200;
	[sflag:s31] =	ssyncadd.s32 $0xFFFFC000  }
0x55: {  	[tilespmem:s20], [sflag:$0x1] =	stream.indirect.gather [hbm4b:s1+s19], $0x80, s10, s19, $0xb8;
	[tilespmem:$0x15000] =	vst v63  }
0x56: {  	_ =	swait.ge [sflag:s0], $0x4000  }
0x57: {  	[sflag:s0] =	ssyncset.done $0x0  }
0x58: {  	s12 =	simm.s32 $0x280;
	[sflag:s0] =	ssyncadd.s32 $0xFFFFC000  }
0x59: {  	[tilespmem:s21], [sflag:$0x2] =	stream.indirect.gather [hbm4b:s1+s19], $0x80, s12, s19, $0xb8;
	[tilespmem:$0x15000] =	vst v63  }
0x5a: {  	_ =	swait.ge [sflag:s2], $0x4000  }
0x5b: {  	[sflag:s2] =	ssyncset.done $0x0  }
0x5c: {  	s22 =	simm.s32 $0x300;
	[sflag:s2] =	ssyncadd.s32 $0xFFFFC000  }
0x5d: {  	[tilespmem:s23], [sflag:$0x3] =	stream.indirect.gather [hbm4b:s1+s19], $0x80, s22, s19, $0xb8;
	[tilespmem:$0x15000] =	vst v63  }
0x5e: {  	_ =	swait.ge [sflag:s5], $0x4000  }
0x5f: {  	s9 =	simm.s32 $0x580;
	[sflag:s5] =	ssyncset.done $0x0  }
0x60: {  	s8 =	simm.s32 $0x2000;
	s22 =	simm.s32 $0x380;
	[sflag:s5] =	ssyncadd.s32 $0xFFFFC000  }
.LBB2_6:
0x61: {  	[tilespmem:s25], [sflag:$0x4] =	stream.indirect.gather [hbm4b:s1+s19], $0x80, s22, s19, $0xb8;
	[tilespmem:$0x15000] =	vst v63  }
0x62: {  	s10 =	smov.u32 s8;
	s22 =	smov.u32 s9  }
0x63: {  	p1 =	sne.s32 s8, $0x4C000;
	s8 =	sadd.s32 $0x2000, s8;
	_ =	swait.ge [sflag:s26], $0x4000  }
0x64: {  	s10 =	sadd.s32 s10, s17;
	[sflag:s26] =	ssyncset.done $0x0  }
0x65: {  	s12 =	sadd.s32 $0x300000, s10;
	[sflag:s26] =	ssyncadd.s32 $0xFFFFC000  }
0x66: {  	[hbm4b:s12+s3] =	stream.linear.scatter [tilespmem:s20], [sflag:$0x5], $0x4000, $0x38;
	[tilespmem:$0x15000] =	vst v63  }
0x67: {  	_ =	swait.ge [sflag:s28], $0x4000  }
0x68: {  	[sflag:s28] =	ssyncset.done $0x0  }
0x69: {  	s12 =	sadd.s32 $0x300800, s10;
	[sflag:s28] =	ssyncadd.s32 $0xFFFFC000  }
0x6a: {  	[hbm4b:s12+s3] =	stream.linear.scatter [tilespmem:s21], [sflag:$0x6], $0x4000, $0x38;
	[tilespmem:$0x15000] =	vst v63  }
0x6b: {  	_ =	swait.ge [sflag:s29], $0x4000  }
0x6c: {  	[sflag:s29] =	ssyncset.done $0x0  }
0x6d: {  	s12 =	sadd.s32 $0x301000, s10;
	[sflag:s29] =	ssyncadd.s32 $0xFFFFC000  }
0x6e: {  	[hbm4b:s12+s3] =	stream.linear.scatter [tilespmem:s23], [sflag:$0x7], $0x4000, $0x38;
	[tilespmem:$0x15000] =	vst v63  }
0x6f: {  	_ =	swait.ge [sflag:s30], $0x4000  }
0x70: {  	[sflag:s30] =	ssyncset.done $0x0  }
0x71: {  	s10 =	sadd.s32 $0x301800, s10;
	[sflag:s30] =	ssyncadd.s32 $0xFFFFC000  }
0x72: {  	[hbm4b:s10+s3] =	stream.linear.scatter [tilespmem:s25], [sflag:$0x8], $0x4000, $0x38;
	[tilespmem:$0x15000] =	vst v63  }
0x73: {  	_ =	swait.ge [sflag:s31], $0x4000  }
0x74: {  	[sflag:s31] =	ssyncset.done $0x0  }
0x75: {  	s10 =	sadd.s32 $0xFFFFFE80, s9;
	[sflag:s31] =	ssyncadd.s32 $0xFFFFC000  }
0x76: {  	[tilespmem:s20], [sflag:$0x1] =	stream.indirect.gather [hbm4b:s1+s19], $0x80, s10, s19, $0xb8;
	[tilespmem:$0x15000] =	vst v63  }
0x77: {  	_ =	swait.ge [sflag:s0], $0x4000  }
0x78: {  	[sflag:s0] =	ssyncset.done $0x0  }
0x79: {  	s10 =	sadd.s32 $0xFFFFFF00, s9;
	[sflag:s0] =	ssyncadd.s32 $0xFFFFC000  }
0x7a: {  	[tilespmem:s21], [sflag:$0x2] =	stream.indirect.gather [hbm4b:s1+s19], $0x80, s10, s19, $0xb8;
	[tilespmem:$0x15000] =	vst v63  }
0x7b: {  	_ =	swait.ge [sflag:s2], $0x4000  }
0x7c: {  	[sflag:s2] =	ssyncset.done $0x0  }
.Ltmp3:
0x7d: {  	s10 =	sadd.s32 $0xFFFFFF80, s9;
	[sflag:s2] =	ssyncadd.s32 $0xFFFFC000;
	(pc) =	sbr.rel @p1 .LBB2_6-.Ltmp3, $4  }
0x7e: {  	[tilespmem:s23], [sflag:$0x3] =	stream.indirect.gather [hbm4b:s1+s19], $0x80, s10, s19, $0xb8;
	[tilespmem:$0x15000] =	vst v63  }
0x7f: {  	_ =	swait.ge [sflag:s5], $0x4000  }
0x80: {  	[sflag:s5] =	ssyncset.done $0x0  }
0x81: {  	s9 =	sadd.s32 $0x200, s9;
	[sflag:s5] =	ssyncadd.s32 $0xFFFFC000  }
.Ltmp4:
0x82: {  	_ = 	snop;
	(pc) =	sbr.rel .LBB2_7-.Ltmp4, $1  }
0x83: {  	_ =	sdelay $0x3  }
.LBB2_2:
0x84: {  	s9 =	rddreg [dreg:$0x3]  }
0x85: {  	[tilespmem:s8], [sflag:$0x9] =	stream.linear.gather [hbm4b:s9+s8], $0x3000, $0x38;
	[tilespmem:$0x15000] =	vst v63  }
0x86: {  	_ =	swait.ge [sflag:s18], $0x3000  }
0x87: {  	[sflag:s18] =	ssyncset.done $0x0  }
0x88: {  	[sflag:s18] =	ssyncadd.s32 $0xFFFFD000  }
0x89: {  	[tilespmem:s20], [sflag:$0x1] =	stream.indirect.gather [hbm4b:s1+s19], $0x80, s8, s19, $0xb8;
	[tilespmem:$0x15000] =	vst v63  }
0x8a: {  	_ = 	snop  }
0x8b: {  	[tilespmem:s21], [sflag:$0x2] =	stream.indirect.gather [hbm4b:s1+s19], $0x80, s19, s19, $0xb8;
	[tilespmem:$0x15000] =	vst v63  }
0x8c: {  	s22 =	simm.s32 $0x100  }
0x8d: {  	[tilespmem:s23], [sflag:$0x3] =	stream.indirect.gather [hbm4b:s1+s19], $0x80, s22, s19, $0xb8;
	[tilespmem:$0x15000] =	vst v63  }
0x8e: {  	s9 =	simm.s32 $0x180  }
0x8f: {  	[tilespmem:s25], [sflag:$0x4] =	stream.indirect.gather [hbm4b:s1+s19], $0x80, s9, s19, $0xb8;
	[tilespmem:$0x15000] =	vst v63  }
0x90: {  	_ =	swait.ge [sflag:s26], $0x4000  }
0x91: {  	[sflag:s26] =	ssyncset.done $0x0  }
0x92: {  	s10 =	sadd.s32 $0x0, s16;
	[sflag:s26] =	ssyncadd.s32 $0xFFFFC000  }
0x93: {  	[hbm4b:s10+s3] =	stream.linear.scatter [tilespmem:s20], [sflag:$0x5], $0x4000, $0x38;
	[tilespmem:$0x15000] =	vst v63  }
0x94: {  	_ =	swait.ge [sflag:s28], $0x4000  }
0x95: {  	[sflag:s28] =	ssyncset.done $0x0  }
0x96: {  	s12 =	sadd.s32 $0x800, s10;
	[sflag:s28] =	ssyncadd.s32 $0xFFFFC000  }
0x97: {  	[hbm4b:s12+s3] =	stream.linear.scatter [tilespmem:s21], [sflag:$0x6], $0x4000, $0x38;
	[tilespmem:$0x15000] =	vst v63  }
0x98: {  	_ =	swait.ge [sflag:s29], $0x4000  }
0x99: {  	[sflag:s29] =	ssyncset.done $0x0  }
0x9a: {  	s22 =	sadd.s32 $0x1000, s10;
	[sflag:s29] =	ssyncadd.s32 $0xFFFFC000  }
0x9b: {  	[hbm4b:s22+s3] =	stream.linear.scatter [tilespmem:s23], [sflag:$0x7], $0x4000, $0x38;
	[tilespmem:$0x15000] =	vst v63  }
0x9c: {  	_ =	swait.ge [sflag:s30], $0x4000  }
0x9d: {  	[sflag:s30] =	ssyncset.done $0x0  }
0x9e: {  	s8 =	sadd.s32 $0x1800, s10;
	[sflag:s30] =	ssyncadd.s32 $0xFFFFC000  }
0x9f: {  	[hbm4b:s8+s3] =	stream.linear.scatter [tilespmem:s25], [sflag:$0x8], $0x4000, $0x38;
	[tilespmem:$0x15000] =	vst v63  }
0xa0: {  	_ =	swait.ge [sflag:s31], $0x4000  }
0xa1: {  	[sflag:s31] =	ssyncset.done $0x0  }
0xa2: {  	s10 =	simm.s32 $0x200;
	[sflag:s31] =	ssyncadd.s32 $0xFFFFC000  }
0xa3: {  	[tilespmem:s20], [sflag:$0x1] =	stream.indirect.gather [hbm4b:s1+s19], $0x80, s10, s19, $0xb8;
	[tilespmem:$0x15000] =	vst v63  }
0xa4: {  	_ =	swait.ge [sflag:s0], $0x4000  }
0xa5: {  	[sflag:s0] =	ssyncset.done $0x0  }
0xa6: {  	s12 =	simm.s32 $0x280;
	[sflag:s0] =	ssyncadd.s32 $0xFFFFC000  }
0xa7: {  	[tilespmem:s21], [sflag:$0x2] =	stream.indirect.gather [hbm4b:s1+s19], $0x80, s12, s19, $0xb8;
	[tilespmem:$0x15000] =	vst v63  }
0xa8: {  	_ =	swait.ge [sflag:s2], $0x4000  }
0xa9: {  	[sflag:s2] =	ssyncset.done $0x0  }
0xaa: {  	s22 =	simm.s32 $0x300;
	[sflag:s2] =	ssyncadd.s32 $0xFFFFC000  }
0xab: {  	[tilespmem:s23], [sflag:$0x3] =	stream.indirect.gather [hbm4b:s1+s19], $0x80, s22, s19, $0xb8;
	[tilespmem:$0x15000] =	vst v63  }
0xac: {  	_ =	swait.ge [sflag:s5], $0x4000  }
0xad: {  	s9 =	simm.s32 $0x580;
	[sflag:s5] =	ssyncset.done $0x0  }
0xae: {  	s8 =	simm.s32 $0x2000;
	s22 =	simm.s32 $0x380;
	[sflag:s5] =	ssyncadd.s32 $0xFFFFC000  }
.LBB2_3:
0xaf: {  	[tilespmem:s25], [sflag:$0x4] =	stream.indirect.gather [hbm4b:s1+s19], $0x80, s22, s19, $0xb8;
	[tilespmem:$0x15000] =	vst v63  }
0xb0: {  	s12 =	smov.u32 s8;
	s22 =	smov.u32 s9  }
0xb1: {  	p1 =	seq.s32 s8, $0x2C000;
	s8 =	sadd.s32 $0x2000, s8;
	_ =	swait.ge [sflag:s26], $0x4000  }
0xb2: {  	[sflag:s26] =	ssyncset.done $0x0  }
0xb3: {  	s12 =	sadd.s32 s12, s16;
	[sflag:s26] =	ssyncadd.s32 $0xFFFFC000  }
0xb4: {  	[hbm4b:s12+s3] =	stream.linear.scatter [tilespmem:s20], [sflag:$0x5], $0x4000, $0x38;
	[tilespmem:$0x15000] =	vst v63  }
0xb5: {  	_ =	swait.ge [sflag:s28], $0x4000  }
0xb6: {  	[sflag:s28] =	ssyncset.done $0x0  }
0xb7: {  	s10 =	sadd.s32 $0x800, s12;
	[sflag:s28] =	ssyncadd.s32 $0xFFFFC000  }
0xb8: {  	[hbm4b:s10+s3] =	stream.linear.scatter [tilespmem:s21], [sflag:$0x6], $0x4000, $0x38;
	[tilespmem:$0x15000] =	vst v63  }
0xb9: {  	_ =	swait.ge [sflag:s29], $0x4000  }
0xba: {  	[sflag:s29] =	ssyncset.done $0x0  }
0xbb: {  	s10 =	sadd.s32 $0x1000, s12;
	[sflag:s29] =	ssyncadd.s32 $0xFFFFC000  }
0xbc: {  	[hbm4b:s10+s3] =	stream.linear.scatter [tilespmem:s23], [sflag:$0x7], $0x4000, $0x38;
	[tilespmem:$0x15000] =	vst v63  }
0xbd: {  	_ =	swait.ge [sflag:s30], $0x4000  }
0xbe: {  	[sflag:s30] =	ssyncset.done $0x0  }
0xbf: {  	s10 =	sadd.s32 $0x1800, s12;
	[sflag:s30] =	ssyncadd.s32 $0xFFFFC000  }
0xc0: {  	[hbm4b:s10+s3] =	stream.linear.scatter [tilespmem:s25], [sflag:$0x8], $0x4000, $0x38;
	[tilespmem:$0x15000] =	vst v63  }
0xc1: {  	_ =	swait.ge [sflag:s31], $0x4000  }
0xc2: {  	[sflag:s31] =	ssyncset.done $0x0  }
0xc3: {  	s10 =	sadd.s32 $0xFFFFFE80, s9;
	[sflag:s31] =	ssyncadd.s32 $0xFFFFC000  }
0xc4: {  	[tilespmem:s20], [sflag:$0x1] =	stream.indirect.gather [hbm4b:s1+s19], $0x80, s10, s19, $0xb8;
	[tilespmem:$0x15000] =	vst v63  }
0xc5: {  	_ =	swait.ge [sflag:s0], $0x4000  }
0xc6: {  	[sflag:s0] =	ssyncset.done $0x0  }
0xc7: {  	s10 =	sadd.s32 $0xFFFFFF00, s9;
	[sflag:s0] =	ssyncadd.s32 $0xFFFFC000  }
0xc8: {  	[tilespmem:s21], [sflag:$0x2] =	stream.indirect.gather [hbm4b:s1+s19], $0x80, s10, s19, $0xb8;
	[tilespmem:$0x15000] =	vst v63  }
0xc9: {  	_ =	swait.ge [sflag:s2], $0x4000  }
0xca: {  	[sflag:s2] =	ssyncset.done $0x0  }
.Ltmp5:
0xcb: {  	s10 =	sadd.s32 $0xFFFFFF80, s9;
	[sflag:s2] =	ssyncadd.s32 $0xFFFFC000;
	(pc) =	sbr.rel @!p1 .LBB2_3-.Ltmp5, $4  }
0xcc: {  	[tilespmem:s23], [sflag:$0x3] =	stream.indirect.gather [hbm4b:s1+s19], $0x80, s10, s19, $0xb8;
	[tilespmem:$0x15000] =	vst v63  }
0xcd: {  	_ =	swait.ge [sflag:s5], $0x4000  }
0xce: {  	[sflag:s5] =	ssyncset.done $0x0  }
0xcf: {  	s9 =	sadd.s32 $0x200, s9;
	[sflag:s5] =	ssyncadd.s32 $0xFFFFC000  }
.Ltmp6:
0xd0: {  	(pc) =	sbr.rel .LBB2_8-.Ltmp6, $4  }
0xd1: {  	[tilespmem:s25], [sflag:$0x4] =	stream.indirect.gather [hbm4b:s1+s19], $0x80, s22, s19, $0xb8;
	[tilespmem:$0x15000] =	vst v63  }
0xd2: {  	s12 =	rddreg [dreg:$0x5]  }
0xd3: {  	s22 =	rddreg [dreg:$0x6]  }
0xd4: {  	s9 =	rddreg [dreg:$0x7];
	s8 =	smov.u32 s11  }
.LBB2_9:
0xd5: {  	_ =	sfence.sel $0x180000  }
0xd6: {  	[bflag:$0x0] =	sbarrier.arrive $0xFFFF  }
0xd7: {  	_ =	strace $0x9000004A  }
0xd8: {  	s0 =	stileid.u32;
	[bflag:$0x2] =	sbarrier.arrive $0xFFFF  }
0xd9: {  	p0 =	sne.s32 s0, $0x0;
	s0 =	rddreg [dreg:$0x2]  }
0xda: {  	s0 =	sadd.s32 @!p0 $0x100000, s0  }
0xdb: {  	[sflag:s0] =	ssyncadd.tile.s32 @!p0 $0x1;
	_ =	shalt  }
.Lfunc_end2:
_tile_overlayer_lowered:
.L_overlay_start_2:
0xdc: {  	(tag) =	ssettag $0x2  }
0xdd: {  	s0 =	rddreg [dreg:$0x0];
	s2 =	stileid.u32  }
0xde: {  	s1 =	rddreg [dreg:$0x1];
	p0 =	sne.s32 s2, $0x0  }
0xdf: {  	s3 =	rddreg [dreg:$0x2];
	[bflag:$0x3] =	sbarrier.arrive $0xFFFF;
	s2 =	simm.s32 @!p0 $0x1C09  }
0xe0: {  	[timem:s3], [sflag:s2] =	dma.local @!p0 [hbm:s0], s1  }
0xe1: {  	s0 =	simm.s32 @!p0 $0x9  }
0xe2: {  	_ =	swait.ge @!p0 [sflag:s0], s1  }
0xe3: {  	s1 =	ssub.s32 @!p0 $0x0, s1;
	[sflag:s0] =	ssyncset.done @!p0 $0x0  }
0xe4: {  	[sflag:s0] =	ssyncadd.s32 @!p0 s1  }
0xe5: {  	[bflag:$0x3] =	sbarrier.arrive $0xFFFF  }
0xe6: {  	_ =	shalt  }

</sc_bundles>
